<compile_context>
chip_gen: v7x
topology: tpu7x:2x2x1
jax: 0.10.2.dev20260603
libtpu: 0.0.44.dev20260713+nightly
codegen_flags: <defaults>
</compile_context>

<pallas_src>
import jax
import jax.numpy as jnp
from jax import lax
from jax.experimental import pallas as pl
from jax.experimental.pallas import tpu as pltpu
from jax.experimental.pallas import tpu_sc as plsc

D = 64
V = 100000
B = 16384
NC, NS, L = 2, 16, 16
NW = NC * NS
ROWS_PER_W = D // NW
CHUNK = 4096
NCHUNK = B // CHUNK


def _gather_kernel(idx_hbm, table_hbm, out_hbm,
                   idx_v, idx_sh, row_v, out0_v, out1_v,
                   sem_row, sem_o0, sem_o1):
    sid = lax.axis_index("s")
    wid = sid * NC + lax.axis_index("c")
    base_row = wid * ROWS_PER_W
    cp_row = pltpu.async_copy(table_hbm.at[base_row], row_v, sem_row)

    @pl.when(sid == 0)
    def _():
        pltpu.sync_copy(idx_hbm, idx_sh)

    plsc.subcore_barrier()
    pltpu.sync_copy(idx_sh, idx_v)
    cp_row.wait()

    out_cps = [None, None]
    out_sems = [sem_o0, sem_o1]
    out_bufs = [out0_v, out1_v]
    for r in range(ROWS_PER_W):
        row = base_row + r
        for c in range(NCHUNK):
            t = (r * NCHUNK + c) % 2
            if out_cps[t] is not None:
                out_cps[t].wait()
            buf = out_bufs[t]

            @plsc.parallel_loop(0, CHUNK, step=L, unroll=8)
            def body(k):
                iv = idx_v[pl.ds(c * CHUNK + k, L)]
                buf[pl.ds(k, L)] = plsc.load_gather(row_v, [iv])

            out_cps[t] = pltpu.async_copy(
                buf, out_hbm.at[row, pl.ds(c * CHUNK, CHUNK)], out_sems[t])
        if r + 1 < ROWS_PER_W:
            pltpu.async_copy(table_hbm.at[base_row + r + 1], row_v, sem_row).wait()
    for cp in out_cps:
        cp.wait()


@jax.jit
def _run(task_id, mesa_parameters):
    mesh = plsc.VectorSubcoreMesh(core_axis_name="c", subcore_axis_name="s")
    return pl.kernel(
        _gather_kernel,
        out_type=jax.ShapeDtypeStruct((D, B), jnp.float32),
        mesh=mesh,
        scratch_types=[
            pltpu.VMEM((B,), jnp.int32),
            pltpu.VMEM_SHARED((B,), jnp.int32),
            pltpu.VMEM((V,), jnp.float32),
            pltpu.VMEM((CHUNK,), jnp.float32),
            pltpu.VMEM((CHUNK,), jnp.float32),
            pltpu.SemaphoreType.DMA,
            pltpu.SemaphoreType.DMA,
            pltpu.SemaphoreType.DMA,
        ],
        compiler_params=pltpu.CompilerParams(needs_layout_passes=False),
    )(task_id, mesa_parameters)


def kernel(task_id, mesa_parameters):
    return _run(task_id.astype(jnp.int32), mesa_parameters)

# --- scband reference (transcript-rebuilt; emitter-appended) ---
"""Pipeline reference for scband-mesa-module-21500606284438 (READ-ONLY COPY).

The authoritative reference and input builder live on the scoring server;
editing this copy changes nothing except your own understanding.
"""

import jax, jax.numpy as jnp
import numpy as np

MESA_PARAMETER_SIZE = 64
NUM_TASKS = 100000
BATCH = 16384

def setup_inputs(seed: int = 0) -> dict:
    key = jax.random.key(seed)
    k1, k2 = jax.random.split(key)
    task_id = jax.random.randint(k1, (BATCH,), 0, NUM_TASKS, dtype=jnp.int64 if jax.config.jax_enable_x64 else jnp.int32)
    mesa_parameters = jax.random.normal(k2, (MESA_PARAMETER_SIZE, NUM_TASKS), dtype=jnp.float32) * 0.02
    return {"task_id": task_id, "mesa_parameters": mesa_parameters}

def reference(task_id, mesa_parameters):
    # Faithful translation of MesaModule.forward: column gather from the
    # learned parameter table. Equivalent to mesa_parameters[:, task_id].
    mesa_parameter = jnp.take(mesa_parameters, task_id, axis=1)
    return mesa_parameter

if __name__ == "__main__":
    import jax
    _d = setup_inputs()
    print(jax.jit(kernel)(*tuple(_d.values())))

</pallas_src>

<mosaic_0001>
#map = affine_map<(d0, d1) -> (0)>
#map1 = affine_map<(d0, d1) -> (0, 0)>
module attributes {stable_mosaic.version = 14 : i64} {
  func.func @_gather_kernel(%arg0: i32, %arg1: i32, %arg2: memref<16384xi32, #tpu.memory_space<hbm>>, %arg3: memref<64x100000xf32, #tpu.memory_space<hbm>>, %arg4: memref<64x16384xf32, #tpu.memory_space<hbm>>, %arg5: memref<16384xi32, #tpu.memory_space<vmem>>, %arg6: memref<16384xi32, #tpu.memory_space<vmem_shared>>, %arg7: memref<100000xf32, #tpu.memory_space<vmem>>, %arg8: memref<4096xf32, #tpu.memory_space<vmem>>, %arg9: memref<4096xf32, #tpu.memory_space<vmem>>, %arg10: memref<!tpu.dma_semaphore, #tpu.memory_space<semaphore_mem>>, %arg11: memref<!tpu.dma_semaphore, #tpu.memory_space<semaphore_mem>>, %arg12: memref<!tpu.dma_semaphore, #tpu.memory_space<semaphore_mem>>) attributes {dimension_semantics = [#tpu.dimension_semantics<core_parallel>, #tpu.dimension_semantics<subcore_parallel>], iteration_bounds = array<i64: 2, 16>, scalar_prefetch = 0 : i64, scratch_operands = 8 : i64, tpu.core_type = #tpu.core_type<sc_vector_subcore>, window_params = [{transform_indices = #map}, {transform_indices = #map1}, {transform_indices = #map1}]} {
    %mul3A = arith.constant 2 : i32
    %mul3A_0 = arith.muli %arg1, %mul3A : i32
    %add3A = arith.addi %mul3A_0, %arg0 : i32
    %mul3A_1 = arith.constant 2 : i32
    %mul3A_2 = arith.muli %add3A, %mul3A_1 : i32
    %dma_start3A = arith.constant 0 : i32
    %dma_start3A_3 = tpu.memref_slice %arg3[%mul3A_2, %dma_start3A] : memref<64x100000xf32, #tpu.memory_space<hbm>> -> memref<1x100000xf32, #tpu.memory_space<hbm>>
    %dma_start3A_4 = tpu.memref_squeeze %dma_start3A_3 : memref<1x100000xf32, #tpu.memory_space<hbm>> -> memref<100000xf32, #tpu.memory_space<hbm>>
    %dma_start3A_5 = arith.constant 0 : i32
    %dma_start3A_6 = tpu.memref_slice %arg3[%mul3A_2, %dma_start3A_5] : memref<64x100000xf32, #tpu.memory_space<hbm>> -> memref<1x100000xf32, #tpu.memory_space<hbm>>
    %dma_start3A_7 = tpu.memref_squeeze %dma_start3A_6 : memref<1x100000xf32, #tpu.memory_space<hbm>> -> memref<100000xf32, #tpu.memory_space<hbm>>
    tpu.enqueue_dma source(%dma_start3A_7 : memref<100000xf32, #tpu.memory_space<hbm>>) target(%arg7 : memref<100000xf32, #tpu.memory_space<vmem>>) target_semaphore(%arg10 : memref<!tpu.dma_semaphore, #tpu.memory_space<semaphore_mem>>)
    %eq3A = arith.constant 0 : i32
    %eq3A_8 = arith.cmpi eq, %arg1, %eq3A : i32
    %convert_element_type3A = arith.extui %eq3A_8 : i1 to i32
    %cond3A = arith.constant 0 : i32
    %cond3A_9 = arith.cmpi ne, %convert_element_type3A, %cond3A : i32
    scf.if %cond3A_9 {
      "tpu.region"() ({
        %run_scoped3A = tpu.sem_alloc : memref<!tpu.dma_semaphore, #tpu.memory_space<semaphore_mem>>
        tpu.enqueue_dma source(%arg2 : memref<16384xi32, #tpu.memory_space<hbm>>) target(%arg6 : memref<16384xi32, #tpu.memory_space<vmem_shared>>) target_semaphore(%run_scoped3A : memref<!tpu.dma_semaphore, #tpu.memory_space<semaphore_mem>>)
        tpu.wait_dma2 semaphore(%run_scoped3A : memref<!tpu.dma_semaphore, #tpu.memory_space<semaphore_mem>>) src(%arg2 : memref<16384xi32, #tpu.memory_space<hbm>>) dst(%arg6 : memref<16384xi32, #tpu.memory_space<vmem_shared>>)
        tpu.yield
      }) : () -> ()
    } else {
    }
    %barrier3A = arith.constant 0 : index
    tpu.barrier barrier_id(%barrier3A)
    "tpu.region"() ({
      %run_scoped3A = tpu.sem_alloc : memref<!tpu.dma_semaphore, #tpu.memory_space<semaphore_mem>>
      tpu.enqueue_dma source(%arg6 : memref<16384xi32, #tpu.memory_space<vmem_shared>>) target(%arg5 : memref<16384xi32, #tpu.memory_space<vmem>>) target_semaphore(%run_scoped3A : memref<!tpu.dma_semaphore, #tpu.memory_space<semaphore_mem>>)
      tpu.wait_dma2 semaphore(%run_scoped3A : memref<!tpu.dma_semaphore, #tpu.memory_space<semaphore_mem>>) src(%arg6 : memref<16384xi32, #tpu.memory_space<vmem_shared>>) dst(%arg5 : memref<16384xi32, #tpu.memory_space<vmem>>)
      tpu.yield
    }) : () -> ()
    %dma_wait3A = arith.constant 0 : i32
    %dma_wait3A_10 = tpu.memref_slice %arg3[%mul3A_2, %dma_wait3A] : memref<64x100000xf32, #tpu.memory_space<hbm>> -> memref<1x100000xf32, #tpu.memory_space<hbm>>
    %dma_wait3A_11 = tpu.memref_squeeze %dma_wait3A_10 : memref<1x100000xf32, #tpu.memory_space<hbm>> -> memref<100000xf32, #tpu.memory_space<hbm>>
    %dma_wait3A_12 = arith.constant 0 : i32
    %dma_wait3A_13 = tpu.memref_slice %arg3[%mul3A_2, %dma_wait3A_12] : memref<64x100000xf32, #tpu.memory_space<hbm>> -> memref<1x100000xf32, #tpu.memory_space<hbm>>
    %dma_wait3A_14 = tpu.memref_squeeze %dma_wait3A_13 : memref<1x100000xf32, #tpu.memory_space<hbm>> -> memref<100000xf32, #tpu.memory_space<hbm>>
    tpu.wait_dma2 semaphore(%arg10 : memref<!tpu.dma_semaphore, #tpu.memory_space<semaphore_mem>>) src(%dma_wait3A_14 : memref<100000xf32, #tpu.memory_space<hbm>>) dst(%arg7 : memref<100000xf32, #tpu.memory_space<vmem>>)
    %add3A_15 = arith.constant 0 : i32
    %add3A_16 = arith.addi %mul3A_2, %add3A_15 : i32
    %parallel_loop3A = arith.constant 0 : i32
    %parallel_loop3A_17 = arith.constant 4096 : i32
    %parallel_loop3A_18 = arith.constant 16 : i32
    scf.for %parallel_loop3A_154 = %parallel_loop3A to %parallel_loop3A_17 step %parallel_loop3A_18  : i32 {
      %parallel_loop3A_155 = arith.constant 0 : i32
      %parallel_loop3A_156 = arith.addi %parallel_loop3A_155, %parallel_loop3A_154 : i32
      %parallel_loop3A_157 = arith.index_cast %parallel_loop3A_156 : i32 to index
      %parallel_loop3A_158 = tpu.vector_load %arg5[%parallel_loop3A_157] {strides = array<i32>} : memref<16384xi32, #tpu.memory_space<vmem>>, vector<16xi32>,
      %parallel_loop3A_159 = tpu.vector_load_idx %arg7[%parallel_loop3A_158] : memref<100000xf32, #tpu.memory_space<vmem>>[vector<16xi32>], vector<16xf32>,
      %parallel_loop3A_160 = arith.index_cast %parallel_loop3A_154 : i32 to index
      %parallel_loop3A_161 = tpu.vector_load %arg8[%parallel_loop3A_160] {strides = array<i32>} : memref<4096xf32, #tpu.memory_space<vmem>>, vector<16xf32>,
      tpu.vector_store %arg8[%parallel_loop3A_160], %parallel_loop3A_159 {strides = array<i32>} : memref<4096xf32, #tpu.memory_space<vmem>>, vector<16xf32>,
    } {sc.loop_unroll_factor = 8 : i64, sc.parallel_access}
    %dma_start3A_19 = arith.constant 0 : i32
    %dma_start3A_20 = tpu.memref_slice %arg4[%add3A_16, %dma_start3A_19] : memref<64x16384xf32, #tpu.memory_space<hbm>> -> memref<1x4096xf32, #tpu.memory_space<hbm>>
    %dma_start3A_21 = tpu.memref_squeeze %dma_start3A_20 : memref<1x4096xf32, #tpu.memory_space<hbm>> -> memref<4096xf32, #tpu.memory_space<hbm>>
    %dma_start3A_22 = arith.constant 0 : i32
    %dma_start3A_23 = tpu.memref_slice %arg4[%add3A_16, %dma_start3A_22] : memref<64x16384xf32, #tpu.memory_space<hbm>> -> memref<1x4096xf32, #tpu.memory_space<hbm>>
    %dma_start3A_24 = tpu.memref_squeeze %dma_start3A_23 : memref<1x4096xf32, #tpu.memory_space<hbm>> -> memref<4096xf32, #tpu.memory_space<hbm>>
    tpu.enqueue_dma source(%arg8 : memref<4096xf32, #tpu.memory_space<vmem>>) target(%dma_start3A_24 : memref<4096xf32, #tpu.memory_space<hbm>>) target_semaphore(%arg11 : memref<!tpu.dma_semaphore, #tpu.memory_space<semaphore_mem>>)
    %parallel_loop3A_25 = arith.constant 0 : i32
    %parallel_loop3A_26 = arith.constant 4096 : i32
    %parallel_loop3A_27 = arith.constant 16 : i32
    scf.for %parallel_loop3A_154 = %parallel_loop3A_25 to %parallel_loop3A_26 step %parallel_loop3A_27  : i32 {
      %parallel_loop3A_155 = arith.constant 4096 : i32
      %parallel_loop3A_156 = arith.addi %parallel_loop3A_155, %parallel_loop3A_154 : i32
      %parallel_loop3A_157 = arith.index_cast %parallel_loop3A_156 : i32 to index
      %parallel_loop3A_158 = tpu.vector_load %arg5[%parallel_loop3A_157] {strides = array<i32>} : memref<16384xi32, #tpu.memory_space<vmem>>, vector<16xi32>,
      %parallel_loop3A_159 = tpu.vector_load_idx %arg7[%parallel_loop3A_158] : memref<100000xf32, #tpu.memory_space<vmem>>[vector<16xi32>], vector<16xf32>,
      %parallel_loop3A_160 = arith.index_cast %parallel_loop3A_154 : i32 to index
      %parallel_loop3A_161 = tpu.vector_load %arg9[%parallel_loop3A_160] {strides = array<i32>} : memref<4096xf32, #tpu.memory_space<vmem>>, vector<16xf32>,
      tpu.vector_store %arg9[%parallel_loop3A_160], %parallel_loop3A_159 {strides = array<i32>} : memref<4096xf32, #tpu.memory_space<vmem>>, vector<16xf32>,
    } {sc.loop_unroll_factor = 8 : i64, sc.parallel_access}
    %dma_start3A_28 = arith.constant 4096 : i32
    %dma_start3A_29 = tpu.memref_slice %arg4[%add3A_16, %dma_start3A_28] : memref<64x16384xf32, #tpu.memory_space<hbm>> -> memref<1x4096xf32, #tpu.memory_space<hbm>>
    %dma_start3A_30 = tpu.memref_squeeze %dma_start3A_29 : memref<1x4096xf32, #tpu.memory_space<hbm>> -> memref<4096xf32, #tpu.memory_space<hbm>>
    %dma_start3A_31 = arith.constant 4096 : i32
    %dma_start3A_32 = tpu.memref_slice %arg4[%add3A_16, %dma_start3A_31] : memref<64x16384xf32, #tpu.memory_space<hbm>> -> memref<1x4096xf32, #tpu.memory_space<hbm>>
    %dma_start3A_33 = tpu.memref_squeeze %dma_start3A_32 : memref<1x4096xf32, #tpu.memory_space<hbm>> -> memref<4096xf32, #tpu.memory_space<hbm>>
    tpu.enqueue_dma source(%arg9 : memref<4096xf32, #tpu.memory_space<vmem>>) target(%dma_start3A_33 : memref<4096xf32, #tpu.memory_space<hbm>>) target_semaphore(%arg12 : memref<!tpu.dma_semaphore, #tpu.memory_space<semaphore_mem>>)
    %dma_wait3A_34 = arith.constant 0 : i32
    %dma_wait3A_35 = tpu.memref_slice %arg4[%add3A_16, %dma_wait3A_34] : memref<64x16384xf32, #tpu.memory_space<hbm>> -> memref<1x4096xf32, #tpu.memory_space<hbm>>
    %dma_wait3A_36 = tpu.memref_squeeze %dma_wait3A_35 : memref<1x4096xf32, #tpu.memory_space<hbm>> -> memref<4096xf32, #tpu.memory_space<hbm>>
    %dma_wait3A_37 = arith.constant 0 : i32
    %dma_wait3A_38 = tpu.memref_slice %arg4[%add3A_16, %dma_wait3A_37] : memref<64x16384xf32, #tpu.memory_space<hbm>> -> memref<1x4096xf32, #tpu.memory_space<hbm>>
    %dma_wait3A_39 = tpu.memref_squeeze %dma_wait3A_38 : memref<1x4096xf32, #tpu.memory_space<hbm>> -> memref<4096xf32, #tpu.memory_space<hbm>>
    tpu.wait_dma2 semaphore(%arg11 : memref<!tpu.dma_semaphore, #tpu.memory_space<semaphore_mem>>) src(%arg8 : memref<4096xf32, #tpu.memory_space<vmem>>) dst(%dma_wait3A_39 : memref<4096xf32, #tpu.memory_space<hbm>>)
    %parallel_loop3A_40 = arith.constant 0 : i32
    %parallel_loop3A_41 = arith.constant 4096 : i32
    %parallel_loop3A_42 = arith.constant 16 : i32
    scf.for %parallel_loop3A_154 = %parallel_loop3A_40 to %parallel_loop3A_41 step %parallel_loop3A_42  : i32 {
      %parallel_loop3A_155 = arith.constant 8192 : i32
      %parallel_loop3A_156 = arith.addi %parallel_loop3A_155, %parallel_loop3A_154 : i32
      %parallel_loop3A_157 = arith.index_cast %parallel_loop3A_156 : i32 to index
      %parallel_loop3A_158 = tpu.vector_load %arg5[%parallel_loop3A_157] {strides = array<i32>} : memref<16384xi32, #tpu.memory_space<vmem>>, vector<16xi32>,
      %parallel_loop3A_159 = tpu.vector_load_idx %arg7[%parallel_loop3A_158] : memref<100000xf32, #tpu.memory_space<vmem>>[vector<16xi32>], vector<16xf32>,
      %parallel_loop3A_160 = arith.index_cast %parallel_loop3A_154 : i32 to index
      %parallel_loop3A_161 = tpu.vector_load %arg8[%parallel_loop3A_160] {strides = array<i32>} : memref<4096xf32, #tpu.memory_space<vmem>>, vector<16xf32>,
      tpu.vector_store %arg8[%parallel_loop3A_160], %parallel_loop3A_159 {strides = array<i32>} : memref<4096xf32, #tpu.memory_space<vmem>>, vector<16xf32>,
    } {sc.loop_unroll_factor = 8 : i64, sc.parallel_access}
    %dma_start3A_43 = arith.constant 8192 : i32
    %dma_start3A_44 = tpu.memref_slice %arg4[%add3A_16, %dma_start3A_43] : memref<64x16384xf32, #tpu.memory_space<hbm>> -> memref<1x4096xf32, #tpu.memory_space<hbm>>
    %dma_start3A_45 = tpu.memref_squeeze %dma_start3A_44 : memref<1x4096xf32, #tpu.memory_space<hbm>> -> memref<4096xf32, #tpu.memory_space<hbm>>
    %dma_start3A_46 = arith.constant 8192 : i32
    %dma_start3A_47 = tpu.memref_slice %arg4[%add3A_16, %dma_start3A_46] : memref<64x16384xf32, #tpu.memory_space<hbm>> -> memref<1x4096xf32, #tpu.memory_space<hbm>>
    %dma_start3A_48 = tpu.memref_squeeze %dma_start3A_47 : memref<1x4096xf32, #tpu.memory_space<hbm>> -> memref<4096xf32, #tpu.memory_space<hbm>>
    tpu.enqueue_dma source(%arg8 : memref<4096xf32, #tpu.memory_space<vmem>>) target(%dma_start3A_48 : memref<4096xf32, #tpu.memory_space<hbm>>) target_semaphore(%arg11 : memref<!tpu.dma_semaphore, #tpu.memory_space<semaphore_mem>>)
    %dma_wait3A_49 = arith.constant 4096 : i32
    %dma_wait3A_50 = tpu.memref_slice %arg4[%add3A_16, %dma_wait3A_49] : memref<64x16384xf32, #tpu.memory_space<hbm>> -> memref<1x4096xf32, #tpu.memory_space<hbm>>
    %dma_wait3A_51 = tpu.memref_squeeze %dma_wait3A_50 : memref<1x4096xf32, #tpu.memory_space<hbm>> -> memref<4096xf32, #tpu.memory_space<hbm>>
    %dma_wait3A_52 = arith.constant 4096 : i32
    %dma_wait3A_53 = tpu.memref_slice %arg4[%add3A_16, %dma_wait3A_52] : memref<64x16384xf32, #tpu.memory_space<hbm>> -> memref<1x4096xf32, #tpu.memory_space<hbm>>
    %dma_wait3A_54 = tpu.memref_squeeze %dma_wait3A_53 : memref<1x4096xf32, #tpu.memory_space<hbm>> -> memref<4096xf32, #tpu.memory_space<hbm>>
    tpu.wait_dma2 semaphore(%arg12 : memref<!tpu.dma_semaphore, #tpu.memory_space<semaphore_mem>>) src(%arg9 : memref<4096xf32, #tpu.memory_space<vmem>>) dst(%dma_wait3A_54 : memref<4096xf32, #tpu.memory_space<hbm>>)
    %parallel_loop3A_55 = arith.constant 0 : i32
    %parallel_loop3A_56 = arith.constant 4096 : i32
    %parallel_loop3A_57 = arith.constant 16 : i32
    scf.for %parallel_loop3A_154 = %parallel_loop3A_55 to %parallel_loop3A_56 step %parallel_loop3A_57  : i32 {
      %parallel_loop3A_155 = arith.constant 12288 : i32
      %parallel_loop3A_156 = arith.addi %parallel_loop3A_155, %parallel_loop3A_154 : i32
      %parallel_loop3A_157 = arith.index_cast %parallel_loop3A_156 : i32 to index
      %parallel_loop3A_158 = tpu.vector_load %arg5[%parallel_loop3A_157] {strides = array<i32>} : memref<16384xi32, #tpu.memory_space<vmem>>, vector<16xi32>,
      %parallel_loop3A_159 = tpu.vector_load_idx %arg7[%parallel_loop3A_158] : memref<100000xf32, #tpu.memory_space<vmem>>[vector<16xi32>], vector<16xf32>,
      %parallel_loop3A_160 = arith.index_cast %parallel_loop3A_154 : i32 to index
      %parallel_loop3A_161 = tpu.vector_load %arg9[%parallel_loop3A_160] {strides = array<i32>} : memref<4096xf32, #tpu.memory_space<vmem>>, vector<16xf32>,
      tpu.vector_store %arg9[%parallel_loop3A_160], %parallel_loop3A_159 {strides = array<i32>} : memref<4096xf32, #tpu.memory_space<vmem>>, vector<16xf32>,
    } {sc.loop_unroll_factor = 8 : i64, sc.parallel_access}
    %dma_start3A_58 = arith.constant 12288 : i32
    %dma_start3A_59 = tpu.memref_slice %arg4[%add3A_16, %dma_start3A_58] : memref<64x16384xf32, #tpu.memory_space<hbm>> -> memref<1x4096xf32, #tpu.memory_space<hbm>>
    %dma_start3A_60 = tpu.memref_squeeze %dma_start3A_59 : memref<1x4096xf32, #tpu.memory_space<hbm>> -> memref<4096xf32, #tpu.memory_space<hbm>>
    %dma_start3A_61 = arith.constant 12288 : i32
    %dma_start3A_62 = tpu.memref_slice %arg4[%add3A_16, %dma_start3A_61] : memref<64x16384xf32, #tpu.memory_space<hbm>> -> memref<1x4096xf32, #tpu.memory_space<hbm>>
    %dma_start3A_63 = tpu.memref_squeeze %dma_start3A_62 : memref<1x4096xf32, #tpu.memory_space<hbm>> -> memref<4096xf32, #tpu.memory_space<hbm>>
    tpu.enqueue_dma source(%arg9 : memref<4096xf32, #tpu.memory_space<vmem>>) target(%dma_start3A_63 : memref<4096xf32, #tpu.memory_space<hbm>>) target_semaphore(%arg12 : memref<!tpu.dma_semaphore, #tpu.memory_space<semaphore_mem>>)
    %add3A_64 = arith.constant 0 : i32
    %add3A_65 = arith.addi %mul3A_2, %add3A_64 : i32
    %add3A_66 = arith.constant 1 : i32
    %add3A_67 = arith.addi %add3A_65, %add3A_66 : i32
    %dma_start3A_68 = arith.constant 0 : i32
    %dma_start3A_69 = tpu.memref_slice %arg3[%add3A_67, %dma_start3A_68] : memref<64x100000xf32, #tpu.memory_space<hbm>> -> memref<1x100000xf32, #tpu.memory_space<hbm>>
    %dma_start3A_70 = tpu.memref_squeeze %dma_start3A_69 : memref<1x100000xf32, #tpu.memory_space<hbm>> -> memref<100000xf32, #tpu.memory_space<hbm>>
    %dma_start3A_71 = arith.constant 0 : i32
    %dma_start3A_72 = tpu.memref_slice %arg3[%add3A_67, %dma_start3A_71] : memref<64x100000xf32, #tpu.memory_space<hbm>> -> memref<1x100000xf32, #tpu.memory_space<hbm>>
    %dma_start3A_73 = tpu.memref_squeeze %dma_start3A_72 : memref<1x100000xf32, #tpu.memory_space<hbm>> -> memref<100000xf32, #tpu.memory_space<hbm>>
    tpu.enqueue_dma source(%dma_start3A_73 : memref<100000xf32, #tpu.memory_space<hbm>>) target(%arg7 : memref<100000xf32, #tpu.memory_space<vmem>>) target_semaphore(%arg10 : memref<!tpu.dma_semaphore, #tpu.memory_space<semaphore_mem>>)
    %dma_wait3A_74 = arith.constant 0 : i32
    %dma_wait3A_75 = tpu.memref_slice %arg3[%add3A_67, %dma_wait3A_74] : memref<64x100000xf32, #tpu.memory_space<hbm>> -> memref<1x100000xf32, #tpu.memory_space<hbm>>
    %dma_wait3A_76 = tpu.memref_squeeze %dma_wait3A_75 : memref<1x100000xf32, #tpu.memory_space<hbm>> -> memref<100000xf32, #tpu.memory_space<hbm>>
    %dma_wait3A_77 = arith.constant 0 : i32
    %dma_wait3A_78 = tpu.memref_slice %arg3[%add3A_67, %dma_wait3A_77] : memref<64x100000xf32, #tpu.memory_space<hbm>> -> memref<1x100000xf32, #tpu.memory_space<hbm>>
    %dma_wait3A_79 = tpu.memref_squeeze %dma_wait3A_78 : memref<1x100000xf32, #tpu.memory_space<hbm>> -> memref<100000xf32, #tpu.memory_space<hbm>>
    tpu.wait_dma2 semaphore(%arg10 : memref<!tpu.dma_semaphore, #tpu.memory_space<semaphore_mem>>) src(%dma_wait3A_79 : memref<100000xf32, #tpu.memory_space<hbm>>) dst(%arg7 : memref<100000xf32, #tpu.memory_space<vmem>>)
    %add3A_80 = arith.constant 1 : i32
    %add3A_81 = arith.addi %mul3A_2, %add3A_80 : i32
    %dma_wait3A_82 = arith.constant 8192 : i32
    %dma_wait3A_83 = tpu.memref_slice %arg4[%add3A_16, %dma_wait3A_82] : memref<64x16384xf32, #tpu.memory_space<hbm>> -> memref<1x4096xf32, #tpu.memory_space<hbm>>
    %dma_wait3A_84 = tpu.memref_squeeze %dma_wait3A_83 : memref<1x4096xf32, #tpu.memory_space<hbm>> -> memref<4096xf32, #tpu.memory_space<hbm>>
    %dma_wait3A_85 = arith.constant 8192 : i32
    %dma_wait3A_86 = tpu.memref_slice %arg4[%add3A_16, %dma_wait3A_85] : memref<64x16384xf32, #tpu.memory_space<hbm>> -> memref<1x4096xf32, #tpu.memory_space<hbm>>
    %dma_wait3A_87 = tpu.memref_squeeze %dma_wait3A_86 : memref<1x4096xf32, #tpu.memory_space<hbm>> -> memref<4096xf32, #tpu.memory_space<hbm>>
    tpu.wait_dma2 semaphore(%arg11 : memref<!tpu.dma_semaphore, #tpu.memory_space<semaphore_mem>>) src(%arg8 : memref<4096xf32, #tpu.memory_space<vmem>>) dst(%dma_wait3A_87 : memref<4096xf32, #tpu.memory_space<hbm>>)
    %parallel_loop3A_88 = arith.constant 0 : i32
    %parallel_loop3A_89 = arith.constant 4096 : i32
    %parallel_loop3A_90 = arith.constant 16 : i32
    scf.for %parallel_loop3A_154 = %parallel_loop3A_88 to %parallel_loop3A_89 step %parallel_loop3A_90  : i32 {
      %parallel_loop3A_155 = arith.constant 0 : i32
      %parallel_loop3A_156 = arith.addi %parallel_loop3A_155, %parallel_loop3A_154 : i32
      %parallel_loop3A_157 = arith.index_cast %parallel_loop3A_156 : i32 to index
      %parallel_loop3A_158 = tpu.vector_load %arg5[%parallel_loop3A_157] {strides = array<i32>} : memref<16384xi32, #tpu.memory_space<vmem>>, vector<16xi32>,
      %parallel_loop3A_159 = tpu.vector_load_idx %arg7[%parallel_loop3A_158] : memref<100000xf32, #tpu.memory_space<vmem>>[vector<16xi32>], vector<16xf32>,
      %parallel_loop3A_160 = arith.index_cast %parallel_loop3A_154 : i32 to index
      %parallel_loop3A_161 = tpu.vector_load %arg8[%parallel_loop3A_160] {strides = array<i32>} : memref<4096xf32, #tpu.memory_space<vmem>>, vector<16xf32>,
      tpu.vector_store %arg8[%parallel_loop3A_160], %parallel_loop3A_159 {strides = array<i32>} : memref<4096xf32, #tpu.memory_space<vmem>>, vector<16xf32>,
    } {sc.loop_unroll_factor = 8 : i64, sc.parallel_access}
    %dma_start3A_91 = arith.constant 0 : i32
    %dma_start3A_92 = tpu.memref_slice %arg4[%add3A_81, %dma_start3A_91] : memref<64x16384xf32, #tpu.memory_space<hbm>> -> memref<1x4096xf32, #tpu.memory_space<hbm>>
    %dma_start3A_93 = tpu.memref_squeeze %dma_start3A_92 : memref<1x4096xf32, #tpu.memory_space<hbm>> -> memref<4096xf32, #tpu.memory_space<hbm>>
    %dma_start3A_94 = arith.constant 0 : i32
    %dma_start3A_95 = tpu.memref_slice %arg4[%add3A_81, %dma_start3A_94] : memref<64x16384xf32, #tpu.memory_space<hbm>> -> memref<1x4096xf32, #tpu.memory_space<hbm>>
    %dma_start3A_96 = tpu.memref_squeeze %dma_start3A_95 : memref<1x4096xf32, #tpu.memory_space<hbm>> -> memref<4096xf32, #tpu.memory_space<hbm>>
    tpu.enqueue_dma source(%arg8 : memref<4096xf32, #tpu.memory_space<vmem>>) target(%dma_start3A_96 : memref<4096xf32, #tpu.memory_space<hbm>>) target_semaphore(%arg11 : memref<!tpu.dma_semaphore, #tpu.memory_space<semaphore_mem>>)
    %dma_wait3A_97 = arith.constant 12288 : i32
    %dma_wait3A_98 = tpu.memref_slice %arg4[%add3A_16, %dma_wait3A_97] : memref<64x16384xf32, #tpu.memory_space<hbm>> -> memref<1x4096xf32, #tpu.memory_space<hbm>>
    %dma_wait3A_99 = tpu.memref_squeeze %dma_wait3A_98 : memref<1x4096xf32, #tpu.memory_space<hbm>> -> memref<4096xf32, #tpu.memory_space<hbm>>
    %dma_wait3A_100 = arith.constant 12288 : i32
    %dma_wait3A_101 = tpu.memref_slice %arg4[%add3A_16, %dma_wait3A_100] : memref<64x16384xf32, #tpu.memory_space<hbm>> -> memref<1x4096xf32, #tpu.memory_space<hbm>>
    %dma_wait3A_102 = tpu.memref_squeeze %dma_wait3A_101 : memref<1x4096xf32, #tpu.memory_space<hbm>> -> memref<4096xf32, #tpu.memory_space<hbm>>
    tpu.wait_dma2 semaphore(%arg12 : memref<!tpu.dma_semaphore, #tpu.memory_space<semaphore_mem>>) src(%arg9 : memref<4096xf32, #tpu.memory_space<vmem>>) dst(%dma_wait3A_102 : memref<4096xf32, #tpu.memory_space<hbm>>)
    %parallel_loop3A_103 = arith.constant 0 : i32
    %parallel_loop3A_104 = arith.constant 4096 : i32
    %parallel_loop3A_105 = arith.constant 16 : i32
    scf.for %parallel_loop3A_154 = %parallel_loop3A_103 to %parallel_loop3A_104 step %parallel_loop3A_105  : i32 {
      %parallel_loop3A_155 = arith.constant 4096 : i32
      %parallel_loop3A_156 = arith.addi %parallel_loop3A_155, %parallel_loop3A_154 : i32
      %parallel_loop3A_157 = arith.index_cast %parallel_loop3A_156 : i32 to index
      %parallel_loop3A_158 = tpu.vector_load %arg5[%parallel_loop3A_157] {strides = array<i32>} : memref<16384xi32, #tpu.memory_space<vmem>>, vector<16xi32>,
      %parallel_loop3A_159 = tpu.vector_load_idx %arg7[%parallel_loop3A_158] : memref<100000xf32, #tpu.memory_space<vmem>>[vector<16xi32>], vector<16xf32>,
      %parallel_loop3A_160 = arith.index_cast %parallel_loop3A_154 : i32 to index
      %parallel_loop3A_161 = tpu.vector_load %arg9[%parallel_loop3A_160] {strides = array<i32>} : memref<4096xf32, #tpu.memory_space<vmem>>, vector<16xf32>,
      tpu.vector_store %arg9[%parallel_loop3A_160], %parallel_loop3A_159 {strides = array<i32>} : memref<4096xf32, #tpu.memory_space<vmem>>, vector<16xf32>,
    } {sc.loop_unroll_factor = 8 : i64, sc.parallel_access}
    %dma_start3A_106 = arith.constant 4096 : i32
    %dma_start3A_107 = tpu.memref_slice %arg4[%add3A_81, %dma_start3A_106] : memref<64x16384xf32, #tpu.memory_space<hbm>> -> memref<1x4096xf32, #tpu.memory_space<hbm>>
    %dma_start3A_108 = tpu.memref_squeeze %dma_start3A_107 : memref<1x4096xf32, #tpu.memory_space<hbm>> -> memref<4096xf32, #tpu.memory_space<hbm>>
    %dma_start3A_109 = arith.constant 4096 : i32
    %dma_start3A_110 = tpu.memref_slice %arg4[%add3A_81, %dma_start3A_109] : memref<64x16384xf32, #tpu.memory_space<hbm>> -> memref<1x4096xf32, #tpu.memory_space<hbm>>
    %dma_start3A_111 = tpu.memref_squeeze %dma_start3A_110 : memref<1x4096xf32, #tpu.memory_space<hbm>> -> memref<4096xf32, #tpu.memory_space<hbm>>
    tpu.enqueue_dma source(%arg9 : memref<4096xf32, #tpu.memory_space<vmem>>) target(%dma_start3A_111 : memref<4096xf32, #tpu.memory_space<hbm>>) target_semaphore(%arg12 : memref<!tpu.dma_semaphore, #tpu.memory_space<semaphore_mem>>)
    %dma_wait3A_112 = arith.constant 0 : i32
    %dma_wait3A_113 = tpu.memref_slice %arg4[%add3A_81, %dma_wait3A_112] : memref<64x16384xf32, #tpu.memory_space<hbm>> -> memref<1x4096xf32, #tpu.memory_space<hbm>>
    %dma_wait3A_114 = tpu.memref_squeeze %dma_wait3A_113 : memref<1x4096xf32, #tpu.memory_space<hbm>> -> memref<4096xf32, #tpu.memory_space<hbm>>
    %dma_wait3A_115 = arith.constant 0 : i32
    %dma_wait3A_116 = tpu.memref_slice %arg4[%add3A_81, %dma_wait3A_115] : memref<64x16384xf32, #tpu.memory_space<hbm>> -> memref<1x4096xf32, #tpu.memory_space<hbm>>
    %dma_wait3A_117 = tpu.memref_squeeze %dma_wait3A_116 : memref<1x4096xf32, #tpu.memory_space<hbm>> -> memref<4096xf32, #tpu.memory_space<hbm>>
    tpu.wait_dma2 semaphore(%arg11 : memref<!tpu.dma_semaphore, #tpu.memory_space<semaphore_mem>>) src(%arg8 : memref<4096xf32, #tpu.memory_space<vmem>>) dst(%dma_wait3A_117 : memref<4096xf32, #tpu.memory_space<hbm>>)
    %parallel_loop3A_118 = arith.constant 0 : i32
    %parallel_loop3A_119 = arith.constant 4096 : i32
    %parallel_loop3A_120 = arith.constant 16 : i32
    scf.for %parallel_loop3A_154 = %parallel_loop3A_118 to %parallel_loop3A_119 step %parallel_loop3A_120  : i32 {
      %parallel_loop3A_155 = arith.constant 8192 : i32
      %parallel_loop3A_156 = arith.addi %parallel_loop3A_155, %parallel_loop3A_154 : i32
      %parallel_loop3A_157 = arith.index_cast %parallel_loop3A_156 : i32 to index
      %parallel_loop3A_158 = tpu.vector_load %arg5[%parallel_loop3A_157] {strides = array<i32>} : memref<16384xi32, #tpu.memory_space<vmem>>, vector<16xi32>,
      %parallel_loop3A_159 = tpu.vector_load_idx %arg7[%parallel_loop3A_158] : memref<100000xf32, #tpu.memory_space<vmem>>[vector<16xi32>], vector<16xf32>,
      %parallel_loop3A_160 = arith.index_cast %parallel_loop3A_154 : i32 to index
      %parallel_loop3A_161 = tpu.vector_load %arg8[%parallel_loop3A_160] {strides = array<i32>} : memref<4096xf32, #tpu.memory_space<vmem>>, vector<16xf32>,
      tpu.vector_store %arg8[%parallel_loop3A_160], %parallel_loop3A_159 {strides = array<i32>} : memref<4096xf32, #tpu.memory_space<vmem>>, vector<16xf32>,
    } {sc.loop_unroll_factor = 8 : i64, sc.parallel_access}
    %dma_start3A_121 = arith.constant 8192 : i32
    %dma_start3A_122 = tpu.memref_slice %arg4[%add3A_81, %dma_start3A_121] : memref<64x16384xf32, #tpu.memory_space<hbm>> -> memref<1x4096xf32, #tpu.memory_space<hbm>>
    %dma_start3A_123 = tpu.memref_squeeze %dma_start3A_122 : memref<1x4096xf32, #tpu.memory_space<hbm>> -> memref<4096xf32, #tpu.memory_space<hbm>>
    %dma_start3A_124 = arith.constant 8192 : i32
    %dma_start3A_125 = tpu.memref_slice %arg4[%add3A_81, %dma_start3A_124] : memref<64x16384xf32, #tpu.memory_space<hbm>> -> memref<1x4096xf32, #tpu.memory_space<hbm>>
    %dma_start3A_126 = tpu.memref_squeeze %dma_start3A_125 : memref<1x4096xf32, #tpu.memory_space<hbm>> -> memref<4096xf32, #tpu.memory_space<hbm>>
    tpu.enqueue_dma source(%arg8 : memref<4096xf32, #tpu.memory_space<vmem>>) target(%dma_start3A_126 : memref<4096xf32, #tpu.memory_space<hbm>>) target_semaphore(%arg11 : memref<!tpu.dma_semaphore, #tpu.memory_space<semaphore_mem>>)
    %dma_wait3A_127 = arith.constant 4096 : i32
    %dma_wait3A_128 = tpu.memref_slice %arg4[%add3A_81, %dma_wait3A_127] : memref<64x16384xf32, #tpu.memory_space<hbm>> -> memref<1x4096xf32, #tpu.memory_space<hbm>>
    %dma_wait3A_129 = tpu.memref_squeeze %dma_wait3A_128 : memref<1x4096xf32, #tpu.memory_space<hbm>> -> memref<4096xf32, #tpu.memory_space<hbm>>
    %dma_wait3A_130 = arith.constant 4096 : i32
    %dma_wait3A_131 = tpu.memref_slice %arg4[%add3A_81, %dma_wait3A_130] : memref<64x16384xf32, #tpu.memory_space<hbm>> -> memref<1x4096xf32, #tpu.memory_space<hbm>>
    %dma_wait3A_132 = tpu.memref_squeeze %dma_wait3A_131 : memref<1x4096xf32, #tpu.memory_space<hbm>> -> memref<4096xf32, #tpu.memory_space<hbm>>
    tpu.wait_dma2 semaphore(%arg12 : memref<!tpu.dma_semaphore, #tpu.memory_space<semaphore_mem>>) src(%arg9 : memref<4096xf32, #tpu.memory_space<vmem>>) dst(%dma_wait3A_132 : memref<4096xf32, #tpu.memory_space<hbm>>)
    %parallel_loop3A_133 = arith.constant 0 : i32
    %parallel_loop3A_134 = arith.constant 4096 : i32
    %parallel_loop3A_135 = arith.constant 16 : i32
    scf.for %parallel_loop3A_154 = %parallel_loop3A_133 to %parallel_loop3A_134 step %parallel_loop3A_135  : i32 {
      %parallel_loop3A_155 = arith.constant 12288 : i32
      %parallel_loop3A_156 = arith.addi %parallel_loop3A_155, %parallel_loop3A_154 : i32
      %parallel_loop3A_157 = arith.index_cast %parallel_loop3A_156 : i32 to index
      %parallel_loop3A_158 = tpu.vector_load %arg5[%parallel_loop3A_157] {strides = array<i32>} : memref<16384xi32, #tpu.memory_space<vmem>>, vector<16xi32>,
      %parallel_loop3A_159 = tpu.vector_load_idx %arg7[%parallel_loop3A_158] : memref<100000xf32, #tpu.memory_space<vmem>>[vector<16xi32>], vector<16xf32>,
      %parallel_loop3A_160 = arith.index_cast %parallel_loop3A_154 : i32 to index
      %parallel_loop3A_161 = tpu.vector_load %arg9[%parallel_loop3A_160] {strides = array<i32>} : memref<4096xf32, #tpu.memory_space<vmem>>, vector<16xf32>,
      tpu.vector_store %arg9[%parallel_loop3A_160], %parallel_loop3A_159 {strides = array<i32>} : memref<4096xf32, #tpu.memory_space<vmem>>, vector<16xf32>,
    } {sc.loop_unroll_factor = 8 : i64, sc.parallel_access}
    %dma_start3A_136 = arith.constant 12288 : i32
    %dma_start3A_137 = tpu.memref_slice %arg4[%add3A_81, %dma_start3A_136] : memref<64x16384xf32, #tpu.memory_space<hbm>> -> memref<1x4096xf32, #tpu.memory_space<hbm>>
    %dma_start3A_138 = tpu.memref_squeeze %dma_start3A_137 : memref<1x4096xf32, #tpu.memory_space<hbm>> -> memref<4096xf32, #tpu.memory_space<hbm>>
    %dma_start3A_139 = arith.constant 12288 : i32
    %dma_start3A_140 = tpu.memref_slice %arg4[%add3A_81, %dma_start3A_139] : memref<64x16384xf32, #tpu.memory_space<hbm>> -> memref<1x4096xf32, #tpu.memory_space<hbm>>
    %dma_start3A_141 = tpu.memref_squeeze %dma_start3A_140 : memref<1x4096xf32, #tpu.memory_space<hbm>> -> memref<4096xf32, #tpu.memory_space<hbm>>
    tpu.enqueue_dma source(%arg9 : memref<4096xf32, #tpu.memory_space<vmem>>) target(%dma_start3A_141 : memref<4096xf32, #tpu.memory_space<hbm>>) target_semaphore(%arg12 : memref<!tpu.dma_semaphore, #tpu.memory_space<semaphore_mem>>)
    %dma_wait3A_142 = arith.constant 8192 : i32
    %dma_wait3A_143 = tpu.memref_slice %arg4[%add3A_81, %dma_wait3A_142] : memref<64x16384xf32, #tpu.memory_space<hbm>> -> memref<1x4096xf32, #tpu.memory_space<hbm>>
    %dma_wait3A_144 = tpu.memref_squeeze %dma_wait3A_143 : memref<1x4096xf32, #tpu.memory_space<hbm>> -> memref<4096xf32, #tpu.memory_space<hbm>>
    %dma_wait3A_145 = arith.constant 8192 : i32
    %dma_wait3A_146 = tpu.memref_slice %arg4[%add3A_81, %dma_wait3A_145] : memref<64x16384xf32, #tpu.memory_space<hbm>> -> memref<1x4096xf32, #tpu.memory_space<hbm>>
    %dma_wait3A_147 = tpu.memref_squeeze %dma_wait3A_146 : memref<1x4096xf32, #tpu.memory_space<hbm>> -> memref<4096xf32, #tpu.memory_space<hbm>>
    tpu.wait_dma2 semaphore(%arg11 : memref<!tpu.dma_semaphore, #tpu.memory_space<semaphore_mem>>) src(%arg8 : memref<4096xf32, #tpu.memory_space<vmem>>) dst(%dma_wait3A_147 : memref<4096xf32, #tpu.memory_space<hbm>>)
    %dma_wait3A_148 = arith.constant 12288 : i32
    %dma_wait3A_149 = tpu.memref_slice %arg4[%add3A_81, %dma_wait3A_148] : memref<64x16384xf32, #tpu.memory_space<hbm>> -> memref<1x4096xf32, #tpu.memory_space<hbm>>
    %dma_wait3A_150 = tpu.memref_squeeze %dma_wait3A_149 : memref<1x4096xf32, #tpu.memory_space<hbm>> -> memref<4096xf32, #tpu.memory_space<hbm>>
    %dma_wait3A_151 = arith.constant 12288 : i32
    %dma_wait3A_152 = tpu.memref_slice %arg4[%add3A_81, %dma_wait3A_151] : memref<64x16384xf32, #tpu.memory_space<hbm>> -> memref<1x4096xf32, #tpu.memory_space<hbm>>
    %dma_wait3A_153 = tpu.memref_squeeze %dma_wait3A_152 : memref<1x4096xf32, #tpu.memory_space<hbm>> -> memref<4096xf32, #tpu.memory_space<hbm>>
    tpu.wait_dma2 semaphore(%arg12 : memref<!tpu.dma_semaphore, #tpu.memory_space<semaphore_mem>>) src(%arg9 : memref<4096xf32, #tpu.memory_space<vmem>>) dst(%dma_wait3A_153 : memref<4096xf32, #tpu.memory_space<hbm>>)
    return
  }
}

</mosaic_0001>

<sc_bundles>
// kernel: _run.3.cloned.1.call-start
scs
__scs_entry_jumppad:
0x0: {  	(pc) =	sbr.rel $0x88, $3  }
0x1: {  	(tag) =	ssettag $0x0;
	lr =	simm.s32 $0x1  }
0x2: {  	[smem:$0x3F9F] =	sst lr;
	_ =	strace $0xD0000000  }
0x3: {  	_ = 	snop  }
0x4: {  	_ = 	snop  }
0x5: {  	_ = 	snop  }
0x6: {  	_ = 	snop  }
0x7: {  	_ = 	snop  }
__scs_overlays_trampoline_lowered:
0x8: {  	[smem:$0x3FAE] =	sst s0  }
0x9: {  	[smem:$0x3FAF] =	sst s1  }
0xa: {  	[smem:$0x3FB0] =	sst s2  }
0xb: {  	[smem:$0x3FB1] =	sst s3  }
0xc: {  	[smem:$0x3FB2] =	sst s4  }
0xd: {  	[smem:$0x3FB3] =	sst s5  }
0xe: {  	[smem:$0x3FB4] =	sst s6  }
0xf: {  	[smem:$0x3FB5] =	sst s7  }
0x10: {  	[smem:$0x3FB6] =	sst s8  }
0x11: {  	[smem:$0x3FB7] =	sst s9;
	s0 =	simm.s32 @!p0 $0x0  }
0x12: {  	s1 =	sld [smem:$0x3F9D];
	s0 =	simm.s32 @p0 $0x1  }
0x13: {  	[smem:$0x3FB8] =	sst s0;
	s0 =	simm.s32 @!p1 $0x0  }
0x14: {  	s2 =	sld [smem:$0x3F9C];
	s0 =	simm.s32 @p1 $0x1  }
0x15: {  	[smem:$0x3FB9] =	sst s0;
	s0 =	simm.s32 @!p2 $0x0  }
0x16: {  	s3 =	sld [smem:$0x3FDB];
	s0 =	simm.s32 @p2 $0x1  }
0x17: {  	s4 =	simm.s32 $0x1BF5;
	[smem:$0x3FBB] =	sst s0  }
0x18: {  	s0 =	sld [smem:$0x3F9E];
	_ =	swait.ge [sflag:s4], $0x0  }
0x19: {  	s7 =	sld [smem:$0x3F9F]  }
0x1a: {  	s8 =	sadd.s32 $0xFFFFE003, lr  }
0x1b: {  	s9 =	sadd.s32 $0xFFFFFEF7, lr;
	s5 =	simm.s32 $0xFFFFFFFF;
	p2 =	slt.u32 s8, $0xFFFFF086  }
0x1c: {  	p1 =	slt.u32 s9, $0xF7A;
	s5 =	simm.s32 @!p2 $0x0  }
0x1d: {  	s5 =	simm.s32 @p1 $0x1;
	p0 =	seq.s32 s7, s2  }
0x1e: {  	s7 =	smul.u32 @!p0 $0xF7A, s2;
	p2 =	seq.s32 @!p0 s5, $0x0  }
0x1f: {  	s9 =	smul.u32 $0xF7A, s1;
	s8 =	simm.s32 @!p0 $0x1BF5;
	p2 =	por !p2, p0  }
0x20: {  	[sflag:s8] =	ssyncset.s32 @!p0 $0xFFFFF086;
	s6 =	sadd.s32 @!p0 s3, s7;
	s7 =	simm.s32 @!p0 $0x108  }
0x21: {  	s3 =	sadd.s32 s3, s9;
	s6 =	sadd.s32 @!p0 $0x88, s6;
	s7 =	simm.s32 @p2 $0x1082  }
0x22: {  	[simem:s7], [sflag:s8] =	dma.local @!p0 [hbm:s6], $0xF7A  }
0x23: {  	s9 =	sor.u32 $0xD0000000, s2;
	s6 =	simm.s32 $0x108;
	_ =	swait.ge @!p0 [sflag:s8], $0x0  }
0x24: {  	s3 =	sadd.s32 $0x88, s3;
	s6 =	simm.s32 @!p1 $0x1082;
	[sflag:s4] =	ssyncset.s32 $0xFFFFF086  }
0x25: {  	[simem:s6], [sflag:s4] =	dma.local [hbm:s3], $0xF7A  }
0x26: {  	[smem:$0x3F9F] =	sst s1;
	(tag) =	ssettag s2;
	_ =	strace s9  }
0x27: {  	s1 =	sld [smem:$0x3FAF]  }
0x28: {  	s2 =	sld [smem:$0x3FB0]  }
0x29: {  	s4 =	sld [smem:$0x3FB2]  }
0x2a: {  	p0 =	seq.s32 s5, $0x0;
	s5 =	sld [smem:$0x3FB3]  }
0x2b: {  	s6 =	sld [smem:$0x3FB4]  }
0x2c: {  	s7 =	sld [smem:$0x3FB5]  }
0x2d: {  	s3 =	simm.s32 $0x108;
	s8 =	sld [smem:$0x3FB6]  }
0x2e: {  	s3 =	simm.s32 @!p0 $0x1082;
	s9 =	sld [smem:$0x3FB7]  }
0x2f: {  	lr =	sadd.s32 s0, s3;
	s0 =	sld [smem:$0x3FAE]  }
0x30: {  	s3 =	sld [smem:$0x3FB1]  }
0x31: {  	[smem:$0x3FBA] =	sst s10  }
0x32: {  	s10 =	sld [smem:$0x3FB8];
	_ =	sdelay $0x3  }
0x33: {  	p0 =	seq.s32 s10, $0x1;
	s10 =	sld [smem:$0x3FBA];
	_ =	sdelay $0x3  }
0x34: {  	[smem:$0x3FBA] =	sst s10  }
0x35: {  	s10 =	sld [smem:$0x3FB9];
	_ =	sdelay $0x3  }
0x36: {  	p1 =	seq.s32 s10, $0x1;
	s10 =	sld [smem:$0x3FBA];
	_ =	sdelay $0x3  }
0x37: {  	[smem:$0x3FBA] =	sst s10  }
0x38: {  	s10 =	sld [smem:$0x3FBB]  }
0x39: {  	_ = 	snop;
	(pc) =	sbr.ind lr, $3  }
0x3a: {  	_ = 	snop  }
0x3b: {  	_ = 	snop  }
0x3c: {  	p2 =	seq.s32 s10, $0x1;
	s10 =	sld [smem:$0x3FBA]  }
0x3d: {  	_ =	shalt  }
0x3e: {  	_ =	shalt  }
0x3f: {  	_ =	shalt  }
0x40: {  	_ =	shalt  }
0x41: {  	_ =	shalt  }
0x42: {  	_ =	shalt  }
0x43: {  	_ =	shalt  }
0x44: {  	_ =	shalt  }
0x45: {  	_ =	shalt  }
0x46: {  	_ =	shalt  }
0x47: {  	_ =	shalt  }
0x48: {  	_ =	shalt  }
0x49: {  	_ =	shalt  }
0x4a: {  	_ =	shalt  }
0x4b: {  	_ =	shalt  }
0x4c: {  	_ =	shalt  }
0x4d: {  	_ =	shalt  }
0x4e: {  	_ =	shalt  }
0x4f: {  	_ =	shalt  }
0x50: {  	_ =	shalt  }
0x51: {  	_ =	shalt  }
0x52: {  	_ =	shalt  }
0x53: {  	_ =	shalt  }
0x54: {  	_ =	shalt  }
0x55: {  	_ =	shalt  }
0x56: {  	_ =	shalt  }
0x57: {  	_ =	shalt  }
0x58: {  	_ =	shalt  }
0x59: {  	_ =	shalt  }
0x5a: {  	_ =	shalt  }
0x5b: {  	_ =	shalt  }
0x5c: {  	_ =	shalt  }
0x5d: {  	_ =	shalt  }
0x5e: {  	_ =	shalt  }
0x5f: {  	_ =	shalt  }
0x60: {  	_ =	shalt  }
0x61: {  	_ =	shalt  }
0x62: {  	_ =	shalt  }
0x63: {  	_ =	shalt  }
0x64: {  	_ =	shalt  }
0x65: {  	_ =	shalt  }
0x66: {  	_ =	shalt  }
0x67: {  	_ =	shalt  }
0x68: {  	_ =	shalt  }
0x69: {  	_ =	shalt  }
0x6a: {  	_ =	shalt  }
0x6b: {  	_ =	shalt  }
0x6c: {  	_ =	shalt  }
0x6d: {  	_ =	shalt  }
0x6e: {  	_ =	shalt  }
0x6f: {  	_ =	shalt  }
0x70: {  	_ =	shalt  }
0x71: {  	_ =	shalt  }
0x72: {  	_ =	shalt  }
0x73: {  	_ =	shalt  }
0x74: {  	_ =	shalt  }
0x75: {  	_ =	shalt  }
0x76: {  	_ =	shalt  }
0x77: {  	_ =	shalt  }
0x78: {  	_ =	shalt  }
0x79: {  	_ =	shalt  }
0x7a: {  	_ =	shalt  }
0x7b: {  	_ =	shalt  }
0x7c: {  	_ =	shalt  }
0x7d: {  	_ =	shalt  }
0x7e: {  	_ =	shalt  }
0x7f: {  	_ =	shalt  }
0x80: {  	_ =	shalt  }
0x81: {  	_ =	shalt  }
0x82: {  	_ =	shalt  }
0x83: {  	_ =	shalt  }
0x84: {  	_ =	shalt  }
0x85: {  	_ =	shalt  }
0x86: {  	_ =	shalt  }
0x87: {  	_ =	shalt  }
.Lfunc_end0:
.L_simem_size_0:
called_computation_lowered:
.L_overlay_start_0:
0x88: {  	s2 =	sld [smem:$0x3FD9]  }
0x89: {  	s3 =	sld [smem:$0x3FFE];
	_ =	sdelay $0x1  }
0x8a: {  	s1 =	srdreg.scid  }
0x8b: {  	s0 =	sand.u32 $0x1, s1  }
0x8c: {  	s18 =	sshll.u32 s0, $0xA;
	s2 =	sadd.s32 s3, s2  }
0x8d: {  	s2 =	sadd.s32 s2, s18  }
0x8e: {  	[smem:$0x3FC6] =	sst s2  }
0x8f: {  	_ = 	snop  }
0x90: {  	s2 =	sld [smem:$0x3FC9]  }
0x91: {  	s19 =	sld [smem:$0x3FC8]  }
0x92: {  	s4 =	sld [smem:$0x3FD0];
	(tm) =	ssettm $0x1  }
0x93: {  	s5 =	sld [smem:$0x3FFB];
	_ =	sdelay $0x3  }
0x94: {  	_ =	strace s5  }
0x95: {  	s5 =	sld [smem:$0x3FFC];
	_ =	sdelay $0x3  }
0x96: {  	_ =	strace s5  }
0x97: {  	s5 =	sld [smem:$0x3FFD];
	_ =	sdelay $0x3  }
0x98: {  	_ =	strace s5  }
0x99: {  	_ =	strace $0x8FFFFFFF  }
0x9a: {  	s20 =	sld [smem:$0x3FDB];
	_ =	sdelay $0x1  }
0x9b: {  	s6 =	simm.s32 $_scs_section_size  }
0x9c: {  	s7 =	simm.s32 $_size__tile_overlayer_lowered;
	s8 =	simm.s32 $_tile_overlayer_lowered  }
0x9d: {  	s23 =	simm.s32 $0x1BFF;
	s22 =	sshll.u32 s8, $0x1;
	s5 =	sadd.s32 s6, s20  }
0x9e: {  	s9 =	simm.s32 $0x0;
	s21 =	sshll.u32 s7, $0x1;
	s7 =	sadd.s32 s22, s5  }
0x9f: {  	[timem:s9], [sflag:s23] =	dma.local [hbm:s7], s21  }
0xa0: {  	_ =	swait.ge [sflag:s23], s21  }
0xa1: {  	s6 =	ssub.s32 $0x0, s21;
	[sflag:s23] =	ssyncset.done $0x0  }
0xa2: {  	[sflag:s23] =	ssyncadd.s32 s6;
	_ =	sdelay $0x1  }
0xa3: {  	s24 =	simm.s32 $0x1B8B  }
0xa4: {  	_ =	swait.ge [sflag:s24], $0x1  }
0xa5: {  	[sflag:s24] =	ssyncset.done $0x0  }
0xa6: {  	s25 =	simm.s32 $0x1B8E;
	[sflag:s24] =	ssyncadd.s32 $0xFFFFFFFF  }
0xa7: {  	s26 =	simm.s32 $execute0_lowered;
	[smem:$0x3FD2] =	sst s25  }
0xa8: {  	s6 =	sshll.u32 s26, $0x1;
	_ =	strace $0x80000046;
	[dreg:$0x1] =	wrdreg $0xFFFFFFFF  }
0xa9: {  	s28 =	simm.s32 $_size_execute0_lowered;
	s5 =	sadd.s32 s5, s6;
	[dreg:$0x0] =	wrdreg $0x0  }
0xaa: {  	s6 =	sshll.u32 s28, $0x1;
	[dreg:$0x2] =	wrdreg s5  }
0xab: {  	[dreg:$0x3] =	wrdreg s6  }
0xac: {  	[dreg:$0x4] =	wrdreg $0xC0  }
0xad: {  	_ =	task [dreg:s9], $0x5FFFF  }
0xae: {  	[dreg:$0x1] =	wrdreg $0xFFFFFFFF  }
0xaf: {  	[dreg:$0x0] =	wrdreg $0x60  }
0xb0: {  	[dreg:$0x2] =	wrdreg s2  }
0xb1: {  	[dreg:$0x3] =	wrdreg s19  }
0xb2: {  	[dreg:$0x4] =	wrdreg s4  }
0xb3: {  	[dreg:$0x5] =	wrdreg $0x40000  }
0xb4: {  	[dreg:$0x6] =	wrdreg $0x9  }
0xb5: {  	_ =	task.clear_ibuf [dreg:s9], $0x7FFFF;
	_ =	strace $0x90000046  }
0xb6: {  	s29 =	simm.s32 $0x9;
	_ =	strace $0x80000048  }
0xb7: {  	_ =	swait.ge [sflag:s29], $0x1  }
0xb8: {  	[sflag:s29] =	ssyncadd.s32 $0xFFFFFFFF  }
0xb9: {  	_ =	strace $0x90000048  }
0xba: {  	_ =	sfence  }
0xbb: {  	s30 =	sld [smem:$0x0];
	_ =	sdelay $0x2  }
0xbc: {  	s31 =	sshll.u32 s1, $0xD;
	s1 =	sshrl.u32 s1, $0x2  }
0xbd: {  	s3 =	sand.u32 $0x4000, s31;
	s1 =	sadd.s32 s1, s30  }
0xbe: {  	s0 =	sor.u32 s3, s0;
	s1 =	sshll.u32 s1, $0x11  }
0xbf: {  	s0 =	sor.u32 s1, s0  }
0xc0: {  	s0 =	sadd.s32 $0x8F2B, s0  }
0xc1: {  	[sflag:s0] =	ssyncadd.remote.s32 $0x1  }
0xc2: {  	_ =	sfence.sel $0xFFFF  }
0xc3: {  	[dreg:$0x0] =	wrdreg $0xFFFFFFFF;
	(pc) =	sbr.abs _section_cstart, $3  }
0xc4: {  	[dreg:$0x1] =	wrdreg $0xFFFFFFFF  }
0xc5: {  	_ =	task.clear_ibuf [dreg:s9], $0x2FFFF;
	_ =	strace $0x9FFFFFFF  }
0xc6: {  	(tm) =	ssettm $0x7FFFFFFF  }
0xc7: {  	_ =	shalt  }
tec
execute0_lowered:
.L_overlay_start_1:
0x0: {  	(tag) =	ssettag $0x1  }
0x1: {  	s1 =	rddreg [dreg:$0x0]  }
0x2: {  	s9 =	rddreg [dreg:$0x1]  }
0x3: {  	s10 =	rddreg [dreg:$0x2]  }
0x4: {  	s2 =	rddreg [dreg:$0x3]  }
0x5: {  	s0 =	rddreg [dreg:$0x4];
	s3 =	simm.s32 $0x0;
	s4 =	srdreg.scid  }
0x6: {  	s15 =	stileid.u32;
	s20 =	simm.s32 $0x1CB00;
	s21 =	simm.s32 $0x1DB00  }
0x7: {  	s22 =	simm.s32 $0x2;
	s23 =	simm.s32 $0x3;
	s24 =	simm.s32 $0x0  }
0x8: {  	[smem:$0x7FF] =	sst s3;
	s4 =	sand.u32 $0x1, s4;
	s5 =	sshll.u32 s15, $0x9  }
0x9: {  	s6 =	sshrl.u32 s15, $0x1;
	s13 =	sadd.s32 $0x1000, s10;
	s16 =	sadd.s32 $0x2000, s10  }
0xa: {  	s31 =	sadd.s32 $0x3000, s10;
	p0 =	sne.s32 s15, $0x0;
	s15 =	simm.s32 $0x80  }
0xb: {  	s7 =	sshll.u32 s4, $0x8;
	s5 =	sand.u32 $0x200, s5;
	s8 =	smul.u32 $0xC3800, s6  }
0xc: {  	_ =	strace $0x80000047;
	s4 =	ssub.s32 $0x2, s4;
	s7 =	sor.u32 s7, s5  }
0xd: {  	s11 =	sshll.u32 s6, $0x11;
	s28 =	sshrl.u32 s4, $0x1;
	s29 =	sor.u32 s8, s7  }
0xe: {  	s12 =	sor.u32 s11, s7;
	s14 =	ssub.s32 s4, s28;
	s17 =	sor.u32 $0x80, s7  }
0xf: {  	s30 =	sshrl.u32 s29, $0x3;
	s12 =	sshrl.u32 s12, $0x3;
	s8 =	sor.u32 s8, s17  }
0x10: {  	s11 =	sor.u32 s11, s17;
	s14 =	smax.u32 s14, $0x1;
	s17 =	simm.s32 $0x4400  }
0x11: {  	s4 =	sadd.s32 s9, s30;
	s5 =	sadd.s32 s10, s12;
	s6 =	sadd.s32 s12, s13  }
0x12: {  	s7 =	sadd.s32 s12, s16;
	s18 =	sshrl.u32 s8, $0x3;
	s19 =	sshrl.u32 s11, $0x3  }
0x13: {  	s8 =	sadd.s32 s12, s31;
	s9 =	sadd.s32 s9, s18;
	s10 =	sadd.s32 s10, s19  }
0x14: {  	s11 =	sadd.s32 s19, s13;
	s12 =	sadd.s32 s19, s16;
	s13 =	sadd.s32 s19, s31  }
0x15: {  	s16 =	simm.s32 $0x400;
	s18 =	simm.s32 $0x4;
	s19 =	simm.s32 $0x1  }
.LBB2_1:
0x16: {  	[tilespmem:s17], [sflag:$0x1] =	stream.strided.gather [hbm4b:s4+s15], $0x18700, s16, s15, $0x38;
	[tilespmem:$0x1EB00] =	vst v63  }
0x17: {  	s25 =	sshrl.u32 @!p0 s2, $0x3;
	s26 =	simm.s32 @!p0 $0x1C04  }
0x18: {  	[spmem:s25], [sflag:s26] =	dma.local @!p0 [hbm:s1], $0x800  }
0x19: {  	s25 =	simm.s32 @!p0 $0x4  }
0x1a: {  	_ =	swait.ge @!p0 [sflag:s25], $0x800  }
0x1b: {  	[sflag:s25] =	ssyncset.done @!p0 $0x0  }
0x1c: {  	[sflag:s25] =	ssyncadd.s32 @!p0 $0xFFFFF800  }
0x1d: {  	[bflag:$0x0] =	sbarrier.arrive $0xFFFF  }
0x1e: {  	[tilespmem:s3], [sflag:$0x4] =	stream.linear.gather [spmem:s2], $0x4000, $0x38;
	[tilespmem:$0x1EB00] =	vst v63  }
0x1f: {  	_ =	swait.ge [sflag:s18], $0x4000  }
0x20: {  	[sflag:s18] =	ssyncset.done $0x0  }
0x21: {  	[sflag:s18] =	ssyncadd.s32 $0xFFFFC000  }
0x22: {  	_ =	swait.ge [sflag:s19], $0x18700  }
0x23: {  	[sflag:s19] =	ssyncset.done $0x0  }
0x24: {  	s31 =	simm.s32 $0x40;
	[sflag:s19] =	ssyncadd.s32 $0xFFFE7900  }
0x25: {  	v0 =	vld [tilespmem:s31+$0x30]  }
0x26: {  	v1 =	vld [tilespmem:s31+$0xFFFFFFD0]  }
0x27: {  	v2 =	vld [tilespmem:s31+$0xFFFFFFE0]  }
0x28: {  	v3 =	vld [tilespmem:s31+$0xFFFFFFF0]  }
0x29: {  	v4 =	vld [tilespmem:s31+$0x0]  }
0x2a: {  	v6 =	vld [tilespmem:s31+$0x10]  }
0x2b: {  	v7 =	vld [tilespmem:s31+$0x20]  }
0x2c: {  	v8 =	vld [tilespmem:s31+$0xFFFFFFC0]  }
0x2d: {  	v9 =	vld.idx.msk [tilespmem:v0+s17+$0x0], $0xffff  }
0x2e: {  	v10 =	vld.idx.msk [tilespmem:v1+s17+$0x0], $0xffff  }
0x2f: {  	v5 =	vld.idx.msk [tilespmem:v2+s17+$0x0], $0xffff  }
0x30: {  	v3 =	vld.idx.msk [tilespmem:v3+s17+$0x0], $0xffff  }
0x31: {  	v0 =	vld.idx.msk [tilespmem:v4+s17+$0x0], $0xffff  }
0x32: {  	s25 =	simm.s32 $0x1CB40;
	v1 =	vld.idx.msk [tilespmem:v6+s17+$0x0], $0xffff  }
0x33: {  	v2 =	vld.idx.msk [tilespmem:v7+s17+$0x0], $0xffff;
	[tilespmem:s25+$0x30] =	vst v9  }
0x34: {  	s28 =	simm.s32 $0xC0;
	s26 =	simm.s32 $0x0;
	v4 =	vld.idx.msk [tilespmem:v8+s17+$0x0], $0xffff;
	[tilespmem:s25+$0xFFFFFFD0] =	vst v10  }
.LBB2_2:
0x35: {  	v6 =	vld [tilespmem:s28+$0x30];
	s26 =	sadd.s32 $0x80, s26;
	[tilespmem:s25+$0xFFFFFFE0] =	vst v5  }
0x36: {  	v5 =	vld [tilespmem:s28+$0xFFFFFFD0];
	p1 =	slt.u32 s26, $0xF80;
	[tilespmem:s25+$0xFFFFFFF0] =	vst v3  }
0x37: {  	v3 =	vld [tilespmem:s28+$0xFFFFFFE0];
	[tilespmem:s25+$0x0] =	vst v0  }
0x38: {  	v0 =	vld [tilespmem:s28+$0xFFFFFFF0];
	[tilespmem:s25+$0x10] =	vst v1  }
0x39: {  	v1 =	vld [tilespmem:s28+$0x0];
	[tilespmem:s25+$0x20] =	vst v2  }
0x3a: {  	v2 =	vld [tilespmem:s28+$0x10];
	[tilespmem:s25+$0xFFFFFFC0] =	vst v4  }
0x3b: {  	v4 =	vld [tilespmem:s28+$0x20]  }
0x3c: {  	v7 =	vld [tilespmem:s28+$0xFFFFFFC0]  }
0x3d: {  	v6 =	vld.idx.msk [tilespmem:v6+s17+$0x0], $0xffff  }
0x3e: {  	v8 =	vld.idx.msk [tilespmem:v5+s17+$0x0], $0xffff  }
0x3f: {  	v5 =	vld.idx.msk [tilespmem:v3+s17+$0x0], $0xffff  }
.Ltmp0:
0x40: {  	v3 =	vld.idx.msk [tilespmem:v0+s17+$0x0], $0xffff;
	(pc) =	sbr.rel @p1 .LBB2_2-.Ltmp0, $4  }
0x41: {  	v0 =	vld.idx.msk [tilespmem:v1+s17+$0x0], $0xffff  }
0x42: {  	s25 =	sadd.s32 $0x80, s25;
	v1 =	vld.idx.msk [tilespmem:v2+s17+$0x0], $0xffff  }
0x43: {  	v2 =	vld.idx.msk [tilespmem:v4+s17+$0x0], $0xffff;
	[tilespmem:s25+$0x30] =	vst v6  }
0x44: {  	s28 =	sadd.s32 $0x80, s28;
	v4 =	vld.idx.msk [tilespmem:v7+s17+$0x0], $0xffff;
	[tilespmem:s25+$0xFFFFFFD0] =	vst v8  }
0x45: {  	[tilespmem:s25+$0xFFFFFFE0] =	vst v5  }
0x46: {  	[tilespmem:s25+$0xFFFFFFF0] =	vst v3  }
0x47: {  	[tilespmem:s25+$0x0] =	vst v0  }
0x48: {  	[tilespmem:s25+$0x10] =	vst v1  }
0x49: {  	[tilespmem:s25+$0x20] =	vst v2  }
0x4a: {  	s31 =	simm.s32 $0x1070;
	[tilespmem:s25+$0xFFFFFFC0] =	vst v4  }
0x4b: {  	[hbm4b:s5+s15] =	stream.strided.scatter [tilespmem:s20], [sflag:$0x2], $0x1000, s16, s15, $0x38;
	[tilespmem:$0x1EB00] =	vst v63  }
0x4c: {  	v0 =	vld [tilespmem:s31+$0x0]  }
0x4d: {  	v1 =	vld [tilespmem:s31+$0xFFFFFFA0]  }
0x4e: {  	v2 =	vld [tilespmem:s31+$0xFFFFFFB0]  }
0x4f: {  	v3 =	vld [tilespmem:s31+$0xFFFFFFC0]  }
0x50: {  	v4 =	vld [tilespmem:s31+$0xFFFFFFD0]  }
0x51: {  	v6 =	vld [tilespmem:s31+$0xFFFFFFE0]  }
0x52: {  	v7 =	vld [tilespmem:s31+$0xFFFFFFF0]  }
0x53: {  	v8 =	vld [tilespmem:s31+$0xFFFFFF90]  }
0x54: {  	v9 =	vld.idx.msk [tilespmem:v0+s17+$0x0], $0xffff  }
0x55: {  	v10 =	vld.idx.msk [tilespmem:v1+s17+$0x0], $0xffff  }
0x56: {  	v5 =	vld.idx.msk [tilespmem:v2+s17+$0x0], $0xffff  }
0x57: {  	v3 =	vld.idx.msk [tilespmem:v3+s17+$0x0], $0xffff  }
0x58: {  	v0 =	vld.idx.msk [tilespmem:v4+s17+$0x0], $0xffff  }
0x59: {  	s25 =	simm.s32 $0x1DB40;
	v1 =	vld.idx.msk [tilespmem:v6+s17+$0x0], $0xffff  }
0x5a: {  	v2 =	vld.idx.msk [tilespmem:v7+s17+$0x0], $0xffff;
	[tilespmem:s25+$0x30] =	vst v9  }
0x5b: {  	s26 =	simm.s32 $0x0;
	s28 =	simm.s32 $0x10F0;
	v4 =	vld.idx.msk [tilespmem:v8+s17+$0x0], $0xffff;
	[tilespmem:s25+$0xFFFFFFD0] =	vst v10  }
.LBB2_4:
0x5c: {  	v6 =	vld [tilespmem:s28+$0x0];
	s26 =	sadd.s32 $0x80, s26;
	[tilespmem:s25+$0xFFFFFFE0] =	vst v5  }
0x5d: {  	v5 =	vld [tilespmem:s28+$0xFFFFFFA0];
	p1 =	slt.u32 s26, $0xF80;
	[tilespmem:s25+$0xFFFFFFF0] =	vst v3  }
0x5e: {  	v3 =	vld [tilespmem:s28+$0xFFFFFFB0];
	[tilespmem:s25+$0x0] =	vst v0  }
0x5f: {  	v0 =	vld [tilespmem:s28+$0xFFFFFFC0];
	[tilespmem:s25+$0x10] =	vst v1  }
0x60: {  	v1 =	vld [tilespmem:s28+$0xFFFFFFD0];
	[tilespmem:s25+$0x20] =	vst v2  }
0x61: {  	v2 =	vld [tilespmem:s28+$0xFFFFFFE0];
	[tilespmem:s25+$0xFFFFFFC0] =	vst v4  }
0x62: {  	v4 =	vld [tilespmem:s28+$0xFFFFFFF0]  }
0x63: {  	v7 =	vld [tilespmem:s28+$0xFFFFFF90]  }
0x64: {  	v6 =	vld.idx.msk [tilespmem:v6+s17+$0x0], $0xffff  }
0x65: {  	v8 =	vld.idx.msk [tilespmem:v5+s17+$0x0], $0xffff  }
0x66: {  	v5 =	vld.idx.msk [tilespmem:v3+s17+$0x0], $0xffff  }
.Ltmp1:
0x67: {  	v3 =	vld.idx.msk [tilespmem:v0+s17+$0x0], $0xffff;
	(pc) =	sbr.rel @p1 .LBB2_4-.Ltmp1, $4  }
0x68: {  	v0 =	vld.idx.msk [tilespmem:v1+s17+$0x0], $0xffff  }
0x69: {  	s25 =	sadd.s32 $0x80, s25;
	v1 =	vld.idx.msk [tilespmem:v2+s17+$0x0], $0xffff  }
0x6a: {  	v2 =	vld.idx.msk [tilespmem:v4+s17+$0x0], $0xffff;
	[tilespmem:s25+$0x30] =	vst v6  }
0x6b: {  	s28 =	sadd.s32 $0x80, s28;
	v4 =	vld.idx.msk [tilespmem:v7+s17+$0x0], $0xffff;
	[tilespmem:s25+$0xFFFFFFD0] =	vst v8  }
0x6c: {  	[tilespmem:s25+$0xFFFFFFE0] =	vst v5  }
0x6d: {  	[tilespmem:s25+$0xFFFFFFF0] =	vst v3  }
0x6e: {  	[tilespmem:s25+$0x0] =	vst v0  }
0x6f: {  	[tilespmem:s25+$0x10] =	vst v1  }
0x70: {  	[tilespmem:s25+$0x20] =	vst v2  }
0x71: {  	[tilespmem:s25+$0xFFFFFFC0] =	vst v4  }
0x72: {  	[hbm4b:s6+s15] =	stream.strided.scatter [tilespmem:s21], [sflag:$0x3], $0x1000, s16, s15, $0x38;
	[tilespmem:$0x1EB00] =	vst v63  }
0x73: {  	_ =	swait.ge [sflag:s22], $0x1000  }
0x74: {  	[sflag:s22] =	ssyncset.done $0x0  }
0x75: {  	s31 =	simm.s32 $0x2070;
	[sflag:s22] =	ssyncadd.s32 $0xFFFFF000  }
0x76: {  	v0 =	vld [tilespmem:s31+$0x0]  }
0x77: {  	v1 =	vld [tilespmem:s31+$0xFFFFFFA0]  }
0x78: {  	v2 =	vld [tilespmem:s31+$0xFFFFFFB0]  }
0x79: {  	v3 =	vld [tilespmem:s31+$0xFFFFFFC0]  }
0x7a: {  	v4 =	vld [tilespmem:s31+$0xFFFFFFD0]  }
0x7b: {  	v6 =	vld [tilespmem:s31+$0xFFFFFFE0]  }
0x7c: {  	v7 =	vld [tilespmem:s31+$0xFFFFFFF0]  }
0x7d: {  	v8 =	vld [tilespmem:s31+$0xFFFFFF90]  }
0x7e: {  	v9 =	vld.idx.msk [tilespmem:v0+s17+$0x0], $0xffff  }
0x7f: {  	v10 =	vld.idx.msk [tilespmem:v1+s17+$0x0], $0xffff  }
0x80: {  	v5 =	vld.idx.msk [tilespmem:v2+s17+$0x0], $0xffff  }
0x81: {  	v3 =	vld.idx.msk [tilespmem:v3+s17+$0x0], $0xffff  }
0x82: {  	v0 =	vld.idx.msk [tilespmem:v4+s17+$0x0], $0xffff  }
0x83: {  	s25 =	simm.s32 $0x1CB40;
	v1 =	vld.idx.msk [tilespmem:v6+s17+$0x0], $0xffff  }
0x84: {  	v2 =	vld.idx.msk [tilespmem:v7+s17+$0x0], $0xffff;
	[tilespmem:s25+$0x30] =	vst v9  }
0x85: {  	s26 =	simm.s32 $0x0;
	s28 =	simm.s32 $0x20F0;
	v4 =	vld.idx.msk [tilespmem:v8+s17+$0x0], $0xffff;
	[tilespmem:s25+$0xFFFFFFD0] =	vst v10  }
.LBB2_6:
0x86: {  	v6 =	vld [tilespmem:s28+$0x0];
	s26 =	sadd.s32 $0x80, s26;
	[tilespmem:s25+$0xFFFFFFE0] =	vst v5  }
0x87: {  	v5 =	vld [tilespmem:s28+$0xFFFFFFA0];
	p1 =	slt.u32 s26, $0xF80;
	[tilespmem:s25+$0xFFFFFFF0] =	vst v3  }
0x88: {  	v3 =	vld [tilespmem:s28+$0xFFFFFFB0];
	[tilespmem:s25+$0x0] =	vst v0  }
0x89: {  	v0 =	vld [tilespmem:s28+$0xFFFFFFC0];
	[tilespmem:s25+$0x10] =	vst v1  }
0x8a: {  	v1 =	vld [tilespmem:s28+$0xFFFFFFD0];
	[tilespmem:s25+$0x20] =	vst v2  }
0x8b: {  	v2 =	vld [tilespmem:s28+$0xFFFFFFE0];
	[tilespmem:s25+$0xFFFFFFC0] =	vst v4  }
0x8c: {  	v4 =	vld [tilespmem:s28+$0xFFFFFFF0]  }
0x8d: {  	v7 =	vld [tilespmem:s28+$0xFFFFFF90]  }
0x8e: {  	v6 =	vld.idx.msk [tilespmem:v6+s17+$0x0], $0xffff  }
0x8f: {  	v8 =	vld.idx.msk [tilespmem:v5+s17+$0x0], $0xffff  }
0x90: {  	v5 =	vld.idx.msk [tilespmem:v3+s17+$0x0], $0xffff  }
.Ltmp2:
0x91: {  	v3 =	vld.idx.msk [tilespmem:v0+s17+$0x0], $0xffff;
	(pc) =	sbr.rel @p1 .LBB2_6-.Ltmp2, $4  }
0x92: {  	v0 =	vld.idx.msk [tilespmem:v1+s17+$0x0], $0xffff  }
0x93: {  	s25 =	sadd.s32 $0x80, s25;
	v1 =	vld.idx.msk [tilespmem:v2+s17+$0x0], $0xffff  }
0x94: {  	v2 =	vld.idx.msk [tilespmem:v4+s17+$0x0], $0xffff;
	[tilespmem:s25+$0x30] =	vst v6  }
0x95: {  	s28 =	sadd.s32 $0x80, s28;
	v4 =	vld.idx.msk [tilespmem:v7+s17+$0x0], $0xffff;
	[tilespmem:s25+$0xFFFFFFD0] =	vst v8  }
0x96: {  	[tilespmem:s25+$0xFFFFFFE0] =	vst v5  }
0x97: {  	[tilespmem:s25+$0xFFFFFFF0] =	vst v3  }
0x98: {  	[tilespmem:s25+$0x0] =	vst v0  }
0x99: {  	[tilespmem:s25+$0x10] =	vst v1  }
0x9a: {  	[tilespmem:s25+$0x20] =	vst v2  }
0x9b: {  	[tilespmem:s25+$0xFFFFFFC0] =	vst v4  }
0x9c: {  	[hbm4b:s7+s15] =	stream.strided.scatter [tilespmem:s20], [sflag:$0x2], $0x1000, s16, s15, $0x38;
	[tilespmem:$0x1EB00] =	vst v63  }
0x9d: {  	_ =	swait.ge [sflag:s23], $0x1000  }
0x9e: {  	[sflag:s23] =	ssyncset.done $0x0  }
0x9f: {  	s31 =	simm.s32 $0x3070;
	[sflag:s23] =	ssyncadd.s32 $0xFFFFF000  }
0xa0: {  	v0 =	vld [tilespmem:s31+$0x0]  }
0xa1: {  	v1 =	vld [tilespmem:s31+$0xFFFFFFA0]  }
0xa2: {  	v2 =	vld [tilespmem:s31+$0xFFFFFFB0]  }
0xa3: {  	v3 =	vld [tilespmem:s31+$0xFFFFFFC0]  }
0xa4: {  	v4 =	vld [tilespmem:s31+$0xFFFFFFD0]  }
0xa5: {  	v6 =	vld [tilespmem:s31+$0xFFFFFFE0]  }
0xa6: {  	v7 =	vld [tilespmem:s31+$0xFFFFFFF0]  }
0xa7: {  	v8 =	vld [tilespmem:s31+$0xFFFFFF90]  }
0xa8: {  	v9 =	vld.idx.msk [tilespmem:v0+s17+$0x0], $0xffff  }
0xa9: {  	v10 =	vld.idx.msk [tilespmem:v1+s17+$0x0], $0xffff  }
0xaa: {  	v5 =	vld.idx.msk [tilespmem:v2+s17+$0x0], $0xffff  }
0xab: {  	v3 =	vld.idx.msk [tilespmem:v3+s17+$0x0], $0xffff  }
0xac: {  	v0 =	vld.idx.msk [tilespmem:v4+s17+$0x0], $0xffff  }
0xad: {  	s25 =	simm.s32 $0x1DB40;
	v1 =	vld.idx.msk [tilespmem:v6+s17+$0x0], $0xffff  }
0xae: {  	v2 =	vld.idx.msk [tilespmem:v7+s17+$0x0], $0xffff;
	[tilespmem:s25+$0x30] =	vst v9  }
0xaf: {  	s26 =	simm.s32 $0x0;
	s28 =	simm.s32 $0x30F0;
	v4 =	vld.idx.msk [tilespmem:v8+s17+$0x0], $0xffff;
	[tilespmem:s25+$0xFFFFFFD0] =	vst v10  }
.LBB2_8:
0xb0: {  	v6 =	vld [tilespmem:s28+$0x0];
	s26 =	sadd.s32 $0x80, s26;
	[tilespmem:s25+$0xFFFFFFE0] =	vst v5  }
0xb1: {  	v5 =	vld [tilespmem:s28+$0xFFFFFFA0];
	p1 =	slt.u32 s26, $0xF80;
	[tilespmem:s25+$0xFFFFFFF0] =	vst v3  }
0xb2: {  	v3 =	vld [tilespmem:s28+$0xFFFFFFB0];
	[tilespmem:s25+$0x0] =	vst v0  }
0xb3: {  	v0 =	vld [tilespmem:s28+$0xFFFFFFC0];
	[tilespmem:s25+$0x10] =	vst v1  }
0xb4: {  	v1 =	vld [tilespmem:s28+$0xFFFFFFD0];
	[tilespmem:s25+$0x20] =	vst v2  }
0xb5: {  	v2 =	vld [tilespmem:s28+$0xFFFFFFE0];
	[tilespmem:s25+$0xFFFFFFC0] =	vst v4  }
0xb6: {  	v4 =	vld [tilespmem:s28+$0xFFFFFFF0]  }
0xb7: {  	v7 =	vld [tilespmem:s28+$0xFFFFFF90]  }
0xb8: {  	v6 =	vld.idx.msk [tilespmem:v6+s17+$0x0], $0xffff  }
0xb9: {  	v8 =	vld.idx.msk [tilespmem:v5+s17+$0x0], $0xffff  }
0xba: {  	v5 =	vld.idx.msk [tilespmem:v3+s17+$0x0], $0xffff  }
.Ltmp3:
0xbb: {  	v3 =	vld.idx.msk [tilespmem:v0+s17+$0x0], $0xffff;
	(pc) =	sbr.rel @p1 .LBB2_8-.Ltmp3, $4  }
0xbc: {  	v0 =	vld.idx.msk [tilespmem:v1+s17+$0x0], $0xffff  }
0xbd: {  	s25 =	sadd.s32 $0x80, s25;
	v1 =	vld.idx.msk [tilespmem:v2+s17+$0x0], $0xffff  }
0xbe: {  	v2 =	vld.idx.msk [tilespmem:v4+s17+$0x0], $0xffff;
	[tilespmem:s25+$0x30] =	vst v6  }
0xbf: {  	s28 =	sadd.s32 $0x80, s28;
	v4 =	vld.idx.msk [tilespmem:v7+s17+$0x0], $0xffff;
	[tilespmem:s25+$0xFFFFFFD0] =	vst v8  }
0xc0: {  	[tilespmem:s25+$0xFFFFFFE0] =	vst v5  }
0xc1: {  	[tilespmem:s25+$0xFFFFFFF0] =	vst v3  }
0xc2: {  	[tilespmem:s25+$0x0] =	vst v0  }
0xc3: {  	[tilespmem:s25+$0x10] =	vst v1  }
0xc4: {  	[tilespmem:s25+$0x20] =	vst v2  }
0xc5: {  	[tilespmem:s25+$0xFFFFFFC0] =	vst v4  }
0xc6: {  	[hbm4b:s8+s15] =	stream.strided.scatter [tilespmem:s21], [sflag:$0x3], $0x1000, s16, s15, $0x38;
	[tilespmem:$0x1EB00] =	vst v63  }
0xc7: {  	_ = 	snop  }
0xc8: {  	[tilespmem:s17], [sflag:$0x1] =	stream.strided.gather [hbm4b:s9+s15], $0x18700, s16, s15, $0x38;
	[tilespmem:$0x1EB00] =	vst v63  }
0xc9: {  	_ =	swait.ge [sflag:s19], $0x18700  }
0xca: {  	[sflag:s19] =	ssyncset.done $0x0  }
0xcb: {  	[sflag:s19] =	ssyncadd.s32 $0xFFFE7900  }
0xcc: {  	_ =	swait.ge [sflag:s22], $0x1000  }
0xcd: {  	[sflag:s22] =	ssyncset.done $0x0  }
0xce: {  	s31 =	simm.s32 $0x40;
	[sflag:s22] =	ssyncadd.s32 $0xFFFFF000  }
0xcf: {  	v0 =	vld [tilespmem:s31+$0x30]  }
0xd0: {  	v1 =	vld [tilespmem:s31+$0xFFFFFFD0]  }
0xd1: {  	v2 =	vld [tilespmem:s31+$0xFFFFFFE0]  }
0xd2: {  	v3 =	vld [tilespmem:s31+$0xFFFFFFF0]  }
0xd3: {  	v4 =	vld [tilespmem:s31+$0x0]  }
0xd4: {  	v6 =	vld [tilespmem:s31+$0x10]  }
0xd5: {  	v7 =	vld [tilespmem:s31+$0x20]  }
0xd6: {  	v8 =	vld [tilespmem:s31+$0xFFFFFFC0]  }
0xd7: {  	v9 =	vld.idx.msk [tilespmem:v0+s17+$0x0], $0xffff  }
0xd8: {  	v10 =	vld.idx.msk [tilespmem:v1+s17+$0x0], $0xffff  }
0xd9: {  	v5 =	vld.idx.msk [tilespmem:v2+s17+$0x0], $0xffff  }
0xda: {  	v3 =	vld.idx.msk [tilespmem:v3+s17+$0x0], $0xffff  }
0xdb: {  	v0 =	vld.idx.msk [tilespmem:v4+s17+$0x0], $0xffff  }
0xdc: {  	s25 =	simm.s32 $0x1CB40;
	v1 =	vld.idx.msk [tilespmem:v6+s17+$0x0], $0xffff  }
0xdd: {  	v2 =	vld.idx.msk [tilespmem:v7+s17+$0x0], $0xffff;
	[tilespmem:s25+$0x30] =	vst v9  }
0xde: {  	s26 =	simm.s32 $0x0;
	s28 =	simm.s32 $0xC0;
	v4 =	vld.idx.msk [tilespmem:v8+s17+$0x0], $0xffff;
	[tilespmem:s25+$0xFFFFFFD0] =	vst v10  }
.LBB2_10:
0xdf: {  	v6 =	vld [tilespmem:s28+$0x30];
	s26 =	sadd.s32 $0x80, s26;
	[tilespmem:s25+$0xFFFFFFE0] =	vst v5  }
0xe0: {  	v5 =	vld [tilespmem:s28+$0xFFFFFFD0];
	p1 =	slt.u32 s26, $0xF80;
	[tilespmem:s25+$0xFFFFFFF0] =	vst v3  }
0xe1: {  	v3 =	vld [tilespmem:s28+$0xFFFFFFE0];
	[tilespmem:s25+$0x0] =	vst v0  }
0xe2: {  	v0 =	vld [tilespmem:s28+$0xFFFFFFF0];
	[tilespmem:s25+$0x10] =	vst v1  }
0xe3: {  	v1 =	vld [tilespmem:s28+$0x0];
	[tilespmem:s25+$0x20] =	vst v2  }
0xe4: {  	v2 =	vld [tilespmem:s28+$0x10];
	[tilespmem:s25+$0xFFFFFFC0] =	vst v4  }
0xe5: {  	v4 =	vld [tilespmem:s28+$0x20]  }
0xe6: {  	v7 =	vld [tilespmem:s28+$0xFFFFFFC0]  }
0xe7: {  	v6 =	vld.idx.msk [tilespmem:v6+s17+$0x0], $0xffff  }
0xe8: {  	v8 =	vld.idx.msk [tilespmem:v5+s17+$0x0], $0xffff  }
0xe9: {  	v5 =	vld.idx.msk [tilespmem:v3+s17+$0x0], $0xffff  }
.Ltmp4:
0xea: {  	v3 =	vld.idx.msk [tilespmem:v0+s17+$0x0], $0xffff;
	(pc) =	sbr.rel @p1 .LBB2_10-.Ltmp4, $4  }
0xeb: {  	v0 =	vld.idx.msk [tilespmem:v1+s17+$0x0], $0xffff  }
0xec: {  	s25 =	sadd.s32 $0x80, s25;
	v1 =	vld.idx.msk [tilespmem:v2+s17+$0x0], $0xffff  }
0xed: {  	v2 =	vld.idx.msk [tilespmem:v4+s17+$0x0], $0xffff;
	[tilespmem:s25+$0x30] =	vst v6  }
0xee: {  	s28 =	sadd.s32 $0x80, s28;
	v4 =	vld.idx.msk [tilespmem:v7+s17+$0x0], $0xffff;
	[tilespmem:s25+$0xFFFFFFD0] =	vst v8  }
0xef: {  	[tilespmem:s25+$0xFFFFFFE0] =	vst v5  }
0xf0: {  	[tilespmem:s25+$0xFFFFFFF0] =	vst v3  }
0xf1: {  	[tilespmem:s25+$0x0] =	vst v0  }
0xf2: {  	[tilespmem:s25+$0x10] =	vst v1  }
0xf3: {  	[tilespmem:s25+$0x20] =	vst v2  }
0xf4: {  	[tilespmem:s25+$0xFFFFFFC0] =	vst v4  }
0xf5: {  	[hbm4b:s10+s15] =	stream.strided.scatter [tilespmem:s20], [sflag:$0x2], $0x1000, s16, s15, $0x38;
	[tilespmem:$0x1EB00] =	vst v63  }
0xf6: {  	_ =	swait.ge [sflag:s23], $0x1000  }
0xf7: {  	[sflag:s23] =	ssyncset.done $0x0  }
0xf8: {  	s31 =	simm.s32 $0x1070;
	[sflag:s23] =	ssyncadd.s32 $0xFFFFF000  }
0xf9: {  	v0 =	vld [tilespmem:s31+$0x0]  }
0xfa: {  	v1 =	vld [tilespmem:s31+$0xFFFFFFA0]  }
0xfb: {  	v2 =	vld [tilespmem:s31+$0xFFFFFFB0]  }
0xfc: {  	v3 =	vld [tilespmem:s31+$0xFFFFFFC0]  }
0xfd: {  	v4 =	vld [tilespmem:s31+$0xFFFFFFD0]  }
0xfe: {  	v6 =	vld [tilespmem:s31+$0xFFFFFFE0]  }
0xff: {  	v7 =	vld [tilespmem:s31+$0xFFFFFFF0]  }
0x100: {  	v8 =	vld [tilespmem:s31+$0xFFFFFF90]  }
0x101: {  	v9 =	vld.idx.msk [tilespmem:v0+s17+$0x0], $0xffff  }
0x102: {  	v10 =	vld.idx.msk [tilespmem:v1+s17+$0x0], $0xffff  }
0x103: {  	v5 =	vld.idx.msk [tilespmem:v2+s17+$0x0], $0xffff  }
0x104: {  	v3 =	vld.idx.msk [tilespmem:v3+s17+$0x0], $0xffff  }
0x105: {  	v0 =	vld.idx.msk [tilespmem:v4+s17+$0x0], $0xffff  }
0x106: {  	s25 =	simm.s32 $0x1DB40;
	v1 =	vld.idx.msk [tilespmem:v6+s17+$0x0], $0xffff  }
0x107: {  	v2 =	vld.idx.msk [tilespmem:v7+s17+$0x0], $0xffff;
	[tilespmem:s25+$0x30] =	vst v9  }
0x108: {  	s26 =	simm.s32 $0x0;
	s28 =	simm.s32 $0x10F0;
	v4 =	vld.idx.msk [tilespmem:v8+s17+$0x0], $0xffff;
	[tilespmem:s25+$0xFFFFFFD0] =	vst v10  }
.LBB2_12:
0x109: {  	v6 =	vld [tilespmem:s28+$0x0];
	s26 =	sadd.s32 $0x80, s26;
	[tilespmem:s25+$0xFFFFFFE0] =	vst v5  }
0x10a: {  	v5 =	vld [tilespmem:s28+$0xFFFFFFA0];
	p1 =	slt.u32 s26, $0xF80;
	[tilespmem:s25+$0xFFFFFFF0] =	vst v3  }
0x10b: {  	v3 =	vld [tilespmem:s28+$0xFFFFFFB0];
	[tilespmem:s25+$0x0] =	vst v0  }
0x10c: {  	v0 =	vld [tilespmem:s28+$0xFFFFFFC0];
	[tilespmem:s25+$0x10] =	vst v1  }
0x10d: {  	v1 =	vld [tilespmem:s28+$0xFFFFFFD0];
	[tilespmem:s25+$0x20] =	vst v2  }
0x10e: {  	v2 =	vld [tilespmem:s28+$0xFFFFFFE0];
	[tilespmem:s25+$0xFFFFFFC0] =	vst v4  }
0x10f: {  	v4 =	vld [tilespmem:s28+$0xFFFFFFF0]  }
0x110: {  	v7 =	vld [tilespmem:s28+$0xFFFFFF90]  }
0x111: {  	v6 =	vld.idx.msk [tilespmem:v6+s17+$0x0], $0xffff  }
0x112: {  	v8 =	vld.idx.msk [tilespmem:v5+s17+$0x0], $0xffff  }
0x113: {  	v5 =	vld.idx.msk [tilespmem:v3+s17+$0x0], $0xffff  }
.Ltmp5:
0x114: {  	v3 =	vld.idx.msk [tilespmem:v0+s17+$0x0], $0xffff;
	(pc) =	sbr.rel @p1 .LBB2_12-.Ltmp5, $4  }
0x115: {  	v0 =	vld.idx.msk [tilespmem:v1+s17+$0x0], $0xffff  }
0x116: {  	s25 =	sadd.s32 $0x80, s25;
	v1 =	vld.idx.msk [tilespmem:v2+s17+$0x0], $0xffff  }
0x117: {  	v2 =	vld.idx.msk [tilespmem:v4+s17+$0x0], $0xffff;
	[tilespmem:s25+$0x30] =	vst v6  }
0x118: {  	s28 =	sadd.s32 $0x80, s28;
	v4 =	vld.idx.msk [tilespmem:v7+s17+$0x0], $0xffff;
	[tilespmem:s25+$0xFFFFFFD0] =	vst v8  }
0x119: {  	[tilespmem:s25+$0xFFFFFFE0] =	vst v5  }
0x11a: {  	[tilespmem:s25+$0xFFFFFFF0] =	vst v3  }
0x11b: {  	[tilespmem:s25+$0x0] =	vst v0  }
0x11c: {  	[tilespmem:s25+$0x10] =	vst v1  }
0x11d: {  	[tilespmem:s25+$0x20] =	vst v2  }
0x11e: {  	[tilespmem:s25+$0xFFFFFFC0] =	vst v4  }
0x11f: {  	[hbm4b:s11+s15] =	stream.strided.scatter [tilespmem:s21], [sflag:$0x3], $0x1000, s16, s15, $0x38;
	[tilespmem:$0x1EB00] =	vst v63  }
0x120: {  	_ =	swait.ge [sflag:s22], $0x1000  }
0x121: {  	[sflag:s22] =	ssyncset.done $0x0  }
0x122: {  	s31 =	simm.s32 $0x2070;
	[sflag:s22] =	ssyncadd.s32 $0xFFFFF000  }
0x123: {  	v0 =	vld [tilespmem:s31+$0x0]  }
0x124: {  	v1 =	vld [tilespmem:s31+$0xFFFFFFA0]  }
0x125: {  	v2 =	vld [tilespmem:s31+$0xFFFFFFB0]  }
0x126: {  	v3 =	vld [tilespmem:s31+$0xFFFFFFC0]  }
0x127: {  	v4 =	vld [tilespmem:s31+$0xFFFFFFD0]  }
0x128: {  	v6 =	vld [tilespmem:s31+$0xFFFFFFE0]  }
0x129: {  	v7 =	vld [tilespmem:s31+$0xFFFFFFF0]  }
0x12a: {  	v8 =	vld [tilespmem:s31+$0xFFFFFF90]  }
0x12b: {  	v9 =	vld.idx.msk [tilespmem:v0+s17+$0x0], $0xffff  }
0x12c: {  	v10 =	vld.idx.msk [tilespmem:v1+s17+$0x0], $0xffff  }
0x12d: {  	v5 =	vld.idx.msk [tilespmem:v2+s17+$0x0], $0xffff  }
0x12e: {  	v3 =	vld.idx.msk [tilespmem:v3+s17+$0x0], $0xffff  }
0x12f: {  	v0 =	vld.idx.msk [tilespmem:v4+s17+$0x0], $0xffff  }
0x130: {  	s25 =	simm.s32 $0x1CB40;
	v1 =	vld.idx.msk [tilespmem:v6+s17+$0x0], $0xffff  }
0x131: {  	v2 =	vld.idx.msk [tilespmem:v7+s17+$0x0], $0xffff;
	[tilespmem:s25+$0x30] =	vst v9  }
0x132: {  	s26 =	simm.s32 $0x0;
	s28 =	simm.s32 $0x20F0;
	v4 =	vld.idx.msk [tilespmem:v8+s17+$0x0], $0xffff;
	[tilespmem:s25+$0xFFFFFFD0] =	vst v10  }
.LBB2_14:
0x133: {  	v6 =	vld [tilespmem:s28+$0x0];
	s26 =	sadd.s32 $0x80, s26;
	[tilespmem:s25+$0xFFFFFFE0] =	vst v5  }
0x134: {  	v5 =	vld [tilespmem:s28+$0xFFFFFFA0];
	p1 =	slt.u32 s26, $0xF80;
	[tilespmem:s25+$0xFFFFFFF0] =	vst v3  }
0x135: {  	v3 =	vld [tilespmem:s28+$0xFFFFFFB0];
	[tilespmem:s25+$0x0] =	vst v0  }
0x136: {  	v0 =	vld [tilespmem:s28+$0xFFFFFFC0];
	[tilespmem:s25+$0x10] =	vst v1  }
0x137: {  	v1 =	vld [tilespmem:s28+$0xFFFFFFD0];
	[tilespmem:s25+$0x20] =	vst v2  }
0x138: {  	v2 =	vld [tilespmem:s28+$0xFFFFFFE0];
	[tilespmem:s25+$0xFFFFFFC0] =	vst v4  }
0x139: {  	v4 =	vld [tilespmem:s28+$0xFFFFFFF0]  }
0x13a: {  	v7 =	vld [tilespmem:s28+$0xFFFFFF90]  }
0x13b: {  	v6 =	vld.idx.msk [tilespmem:v6+s17+$0x0], $0xffff  }
0x13c: {  	v8 =	vld.idx.msk [tilespmem:v5+s17+$0x0], $0xffff  }
0x13d: {  	v5 =	vld.idx.msk [tilespmem:v3+s17+$0x0], $0xffff  }
.Ltmp6:
0x13e: {  	v3 =	vld.idx.msk [tilespmem:v0+s17+$0x0], $0xffff;
	(pc) =	sbr.rel @p1 .LBB2_14-.Ltmp6, $4  }
0x13f: {  	v0 =	vld.idx.msk [tilespmem:v1+s17+$0x0], $0xffff  }
0x140: {  	s25 =	sadd.s32 $0x80, s25;
	v1 =	vld.idx.msk [tilespmem:v2+s17+$0x0], $0xffff  }
0x141: {  	v2 =	vld.idx.msk [tilespmem:v4+s17+$0x0], $0xffff;
	[tilespmem:s25+$0x30] =	vst v6  }
0x142: {  	s28 =	sadd.s32 $0x80, s28;
	v4 =	vld.idx.msk [tilespmem:v7+s17+$0x0], $0xffff;
	[tilespmem:s25+$0xFFFFFFD0] =	vst v8  }
0x143: {  	[tilespmem:s25+$0xFFFFFFE0] =	vst v5  }
0x144: {  	[tilespmem:s25+$0xFFFFFFF0] =	vst v3  }
0x145: {  	[tilespmem:s25+$0x0] =	vst v0  }
0x146: {  	[tilespmem:s25+$0x10] =	vst v1  }
0x147: {  	[tilespmem:s25+$0x20] =	vst v2  }
0x148: {  	[tilespmem:s25+$0xFFFFFFC0] =	vst v4  }
0x149: {  	[hbm4b:s12+s15] =	stream.strided.scatter [tilespmem:s20], [sflag:$0x2], $0x1000, s16, s15, $0x38;
	[tilespmem:$0x1EB00] =	vst v63  }
0x14a: {  	_ =	swait.ge [sflag:s23], $0x1000  }
0x14b: {  	[sflag:s23] =	ssyncset.done $0x0  }
0x14c: {  	s31 =	simm.s32 $0x3070;
	[sflag:s23] =	ssyncadd.s32 $0xFFFFF000  }
0x14d: {  	v0 =	vld [tilespmem:s31+$0x0]  }
0x14e: {  	v1 =	vld [tilespmem:s31+$0xFFFFFFA0]  }
0x14f: {  	v2 =	vld [tilespmem:s31+$0xFFFFFFB0]  }
0x150: {  	v3 =	vld [tilespmem:s31+$0xFFFFFFC0]  }
0x151: {  	v4 =	vld [tilespmem:s31+$0xFFFFFFD0]  }
0x152: {  	v6 =	vld [tilespmem:s31+$0xFFFFFFE0]  }
0x153: {  	v7 =	vld [tilespmem:s31+$0xFFFFFFF0]  }
0x154: {  	v8 =	vld [tilespmem:s31+$0xFFFFFF90]  }
0x155: {  	v9 =	vld.idx.msk [tilespmem:v0+s17+$0x0], $0xffff  }
0x156: {  	v10 =	vld.idx.msk [tilespmem:v1+s17+$0x0], $0xffff  }
0x157: {  	v5 =	vld.idx.msk [tilespmem:v2+s17+$0x0], $0xffff  }
0x158: {  	v3 =	vld.idx.msk [tilespmem:v3+s17+$0x0], $0xffff  }
0x159: {  	v0 =	vld.idx.msk [tilespmem:v4+s17+$0x0], $0xffff  }
0x15a: {  	s25 =	simm.s32 $0x1DB40;
	v1 =	vld.idx.msk [tilespmem:v6+s17+$0x0], $0xffff  }
0x15b: {  	v2 =	vld.idx.msk [tilespmem:v7+s17+$0x0], $0xffff;
	[tilespmem:s25+$0x30] =	vst v9  }
0x15c: {  	s26 =	simm.s32 $0x0;
	s28 =	simm.s32 $0x30F0;
	v4 =	vld.idx.msk [tilespmem:v8+s17+$0x0], $0xffff;
	[tilespmem:s25+$0xFFFFFFD0] =	vst v10  }
.LBB2_16:
0x15d: {  	v6 =	vld [tilespmem:s28+$0x0];
	s26 =	sadd.s32 $0x80, s26;
	[tilespmem:s25+$0xFFFFFFE0] =	vst v5  }
0x15e: {  	v5 =	vld [tilespmem:s28+$0xFFFFFFA0];
	p1 =	slt.u32 s26, $0xF80;
	[tilespmem:s25+$0xFFFFFFF0] =	vst v3  }
0x15f: {  	v3 =	vld [tilespmem:s28+$0xFFFFFFB0];
	[tilespmem:s25+$0x0] =	vst v0  }
0x160: {  	v0 =	vld [tilespmem:s28+$0xFFFFFFC0];
	[tilespmem:s25+$0x10] =	vst v1  }
0x161: {  	v1 =	vld [tilespmem:s28+$0xFFFFFFD0];
	[tilespmem:s25+$0x20] =	vst v2  }
0x162: {  	v2 =	vld [tilespmem:s28+$0xFFFFFFE0];
	[tilespmem:s25+$0xFFFFFFC0] =	vst v4  }
0x163: {  	v4 =	vld [tilespmem:s28+$0xFFFFFFF0]  }
0x164: {  	v7 =	vld [tilespmem:s28+$0xFFFFFF90]  }
0x165: {  	v6 =	vld.idx.msk [tilespmem:v6+s17+$0x0], $0xffff  }
0x166: {  	v8 =	vld.idx.msk [tilespmem:v5+s17+$0x0], $0xffff  }
0x167: {  	v5 =	vld.idx.msk [tilespmem:v3+s17+$0x0], $0xffff  }
.Ltmp7:
0x168: {  	v3 =	vld.idx.msk [tilespmem:v0+s17+$0x0], $0xffff;
	(pc) =	sbr.rel @p1 .LBB2_16-.Ltmp7, $4  }
0x169: {  	v0 =	vld.idx.msk [tilespmem:v1+s17+$0x0], $0xffff  }
0x16a: {  	s25 =	sadd.s32 $0x80, s25;
	v1 =	vld.idx.msk [tilespmem:v2+s17+$0x0], $0xffff  }
0x16b: {  	v2 =	vld.idx.msk [tilespmem:v4+s17+$0x0], $0xffff;
	[tilespmem:s25+$0x30] =	vst v6  }
0x16c: {  	s28 =	sadd.s32 $0x80, s28;
	v4 =	vld.idx.msk [tilespmem:v7+s17+$0x0], $0xffff;
	[tilespmem:s25+$0xFFFFFFD0] =	vst v8  }
0x16d: {  	[tilespmem:s25+$0xFFFFFFE0] =	vst v5  }
0x16e: {  	[tilespmem:s25+$0xFFFFFFF0] =	vst v3  }
0x16f: {  	[tilespmem:s25+$0x0] =	vst v0  }
0x170: {  	[tilespmem:s25+$0x10] =	vst v1  }
0x171: {  	[tilespmem:s25+$0x20] =	vst v2  }
0x172: {  	s24 =	sadd.s32 $0x1, s24;
	[tilespmem:s25+$0xFFFFFFC0] =	vst v4  }
0x173: {  	[hbm4b:s13+s15] =	stream.strided.scatter [tilespmem:s21], [sflag:$0x3], $0x1000, s16, s15, $0x38;
	[tilespmem:$0x1EB00] =	vst v63  }
0x174: {  	p1 =	sne.s32 s24, s14;
	_ =	swait.ge [sflag:s22], $0x1000  }
.Ltmp8:
0x175: {  	[sflag:s22] =	ssyncset.done $0x0;
	(pc) =	sbr.rel @p1 .LBB2_1-.Ltmp8, $4  }
0x176: {  	[sflag:s22] =	ssyncadd.s32 $0xFFFFF000  }
0x177: {  	_ =	swait.ge [sflag:s23], $0x1000  }
0x178: {  	[sflag:s23] =	ssyncset.done $0x0  }
0x179: {  	[sflag:s23] =	ssyncadd.s32 $0xFFFFF000  }
0x17a: {  	_ =	sfence.sel $0x180000  }
0x17b: {  	[bflag:$0x0] =	sbarrier.arrive $0xFFFF  }
0x17c: {  	_ =	strace $0x90000047  }
0x17d: {  	s0 =	sadd.s32 @!p0 $0x100000, s0;
	[bflag:$0x2] =	sbarrier.arrive $0xFFFF  }
0x17e: {  	[sflag:s0] =	ssyncadd.tile.s32 @!p0 $0x1;
	_ =	shalt  }
.Lfunc_end2:
_tile_overlayer_lowered:
.L_overlay_start_2:
0x17f: {  	(tag) =	ssettag $0x2  }
0x180: {  	s0 =	rddreg [dreg:$0x0];
	s2 =	stileid.u32  }
0x181: {  	s1 =	rddreg [dreg:$0x1];
	p0 =	sne.s32 s2, $0x0  }
0x182: {  	s3 =	rddreg [dreg:$0x2];
	[bflag:$0x3] =	sbarrier.arrive $0xFFFF;
	s2 =	simm.s32 @!p0 $0x1C04  }
0x183: {  	[timem:s3], [sflag:s2] =	dma.local @!p0 [hbm:s0], s1  }
0x184: {  	s0 =	simm.s32 @!p0 $0x4  }
0x185: {  	_ =	swait.ge @!p0 [sflag:s0], s1  }
0x186: {  	s1 =	ssub.s32 @!p0 $0x0, s1;
	[sflag:s0] =	ssyncset.done @!p0 $0x0  }
0x187: {  	[sflag:s0] =	ssyncadd.s32 @!p0 s1  }
0x188: {  	[bflag:$0x3] =	sbarrier.arrive $0xFFFF  }
0x189: {  	_ =	shalt  }

</sc_bundles>
